<compile_context>
chip_gen: v7x
topology: tpu7x:2x2x1
jax: 0.10.2.dev20260603
libtpu: 0.0.44.dev20260713+nightly
codegen_flags: <defaults>
</compile_context>

<pallas_src>
import functools

import jax
import jax.numpy as jnp
from jax import lax
from jax.experimental import pallas as pl
from jax.experimental.pallas import tpu as pltpu
from jax.experimental.pallas import tpu_sc as plsc


def _conv2d(x, w, b, stride, pad):
    out = jax.lax.conv_general_dilated(
        x, w, (stride, stride), [(pad, pad), (pad, pad)],
        dimension_numbers=('NCHW', 'OIHW', 'NCHW'))
    return out + b[None, :, None, None]


def _conv_t2d(x, w, b, stride, pad, out_pad):
    wt = jnp.flip(jnp.transpose(w, (1, 0, 2, 3)), axis=(2, 3))
    k = w.shape[2]
    out = jax.lax.conv_general_dilated(
        x, wt, (1, 1), [(k - 1 - pad, k - 1 - pad + out_pad)] * 2,
        lhs_dilation=(stride, stride), dimension_numbers=('NCHW', 'OIHW', 'NCHW'))
    return out + b[None, :, None, None]


def _group_norm(x, g, bta, groups=2, eps=1e-5):
    B, C, H, W = x.shape
    xg = x.reshape(B, groups, C // groups, H, W)
    m = xg.mean(axis=(2, 3, 4), keepdims=True)
    v = ((xg - m) ** 2).mean(axis=(2, 3, 4), keepdims=True)
    xn = ((xg - m) / jnp.sqrt(v + eps)).reshape(B, C, H, W)
    return xn * g[None, :, None, None] + bta[None, :, None, None]


def _lrelu(x):
    return jnp.where(x >= 0, x, 0.2 * x)


def _topk_body(flat_ref, emb_ref, rown_ref, embn_ref, idx_ref, loss_ref,
               perp_ref, counts_acc, loss_acc, *, n_rows, n_steps,
               commitment_cost):
    step = pl.program_id(0)
    flat = flat_ref[...]
    emb = emb_ref[...]
    R = flat.shape[0]
    K = emb.shape[0]

    dot = jax.lax.dot_general(
        flat, emb, (((1,), (1,)), ((), ())),
        preferred_element_type=jnp.float32)
    rown = rown_ref[...]
    embn = embn_ref[...]
    d = (rown + embn) - 2.0 * dot

    lanef = jax.lax.broadcasted_iota(jnp.int32, (R, K), 1).astype(jnp.float32)
    bigf = jnp.float32(K)

    def pick(dc):
        m = jnp.min(dc, axis=1, keepdims=True)
        i = jnp.min(jnp.where(dc == m, lanef, bigf), axis=1, keepdims=True)
        return m, i

    m0, i0 = pick(d)
    d = jnp.where(lanef == i0, jnp.inf, d)
    _, i1 = pick(d)
    d = jnp.where(lanef == i1, jnp.inf, d)
    _, i2 = pick(d)

    idx_ref[...] = i0.astype(jnp.int32)

    block_loss = jnp.sum(m0)
    block_counts = jnp.sum((lanef == i2).astype(jnp.float32), axis=0)[None, :]

    @pl.when(step == 0)
    def _init():
        loss_acc[...] = jnp.zeros_like(loss_acc)
        counts_acc[...] = jnp.zeros_like(counts_acc)

    loss_acc[...] += block_loss.reshape(1, 1)
    counts_acc[...] += block_counts

    @pl.when(step == n_steps - 1)
    def _fin():
        n_elems = jnp.float32(n_rows) * jnp.float32(flat.shape[1])
        loss_ref[...] = commitment_cost * loss_acc[...] / n_elems
        p = counts_acc[...] / jnp.float32(n_rows)
        ent = -jnp.sum(p * jnp.log(p + 1e-10))
        perp_ref[...] = jnp.exp(ent).reshape(1, 1)


def _topk_stage(flat, emb, commitment_cost):
    n_rows, ed = flat.shape
    K = emb.shape[0]
    R = 512
    n_steps = n_rows // R
    assert n_steps * R == n_rows

    body = functools.partial(_topk_body, n_rows=n_rows, n_steps=n_steps,
                             commitment_cost=commitment_cost)
    idx, loss, perp = pl.pallas_call(
        body,
        grid=(n_steps,),
        in_specs=[
            pl.BlockSpec((R, ed), lambda i: (i, 0)),
            pl.BlockSpec((K, ed), lambda i: (0, 0)),
            pl.BlockSpec((R, 1), lambda i: (i, 0)),
            pl.BlockSpec((1, K), lambda i: (0, 0)),
        ],
        out_specs=[
            pl.BlockSpec((R, 1), lambda i: (i, 0)),
            pl.BlockSpec((1, 1), lambda i: (0, 0)),
            pl.BlockSpec((1, 1), lambda i: (0, 0)),
        ],
        out_shape=[
            jax.ShapeDtypeStruct((n_rows, 1), jnp.int32),
            jax.ShapeDtypeStruct((1, 1), jnp.float32),
            jax.ShapeDtypeStruct((1, 1), jnp.float32),
        ],
        scratch_shapes=[
            pltpu.VMEM((1, K), jnp.float32),
            pltpu.VMEM((1, 1), jnp.float32),
        ],
    )(flat, emb,
      jnp.sum(flat ** 2, axis=1, keepdims=True),
      jnp.sum(emb ** 2, axis=1)[None, :])
    return idx[:, 0], loss[0, 0], perp[0, 0]


def _sc_gather(emb, idx):
    NC, NS = 2, 16
    NW = NC * NS
    N = idx.shape[0]
    D = emb.shape[1]
    b_per_w = N // NW
    CH = 112
    NCH = b_per_w // CH
    K_ROWS = emb.shape[0]
    assert CH * NCH == b_per_w and b_per_w * NW == N and b_per_w % 8 == 0

    mesh = plsc.VectorSubcoreMesh(core_axis_name="c", subcore_axis_name="s")

    @functools.partial(
        pl.kernel, mesh=mesh,
        out_type=jax.ShapeDtypeStruct((N, D), jnp.float32),
        scratch_types=[
            pltpu.VMEM((NCH, CH), jnp.int32),
            pltpu.VMEM((b_per_w, D), jnp.float32),
            pltpu.VMEM_SHARED((K_ROWS, D), jnp.float32),
            pltpu.SemaphoreType.DMA,
        ],
    )
    def k(table_hbm, idx_hbm, out_hbm, idx_v, rows_v, emb_sh, sem):
        wid = lax.axis_index("s") * NC + lax.axis_index("c")
        base = wid * b_per_w
        @pl.when(lax.axis_index("s") == 0)
        def _stage():
            pltpu.sync_copy(table_hbm, emb_sh)
        plsc.subcore_barrier()
        pltpu.sync_copy(idx_hbm.at[wid], idx_v)
        copies = [
            pltpu.async_copy(emb_sh.at[idx_v.at[j]],
                             rows_v.at[pl.ds(j * CH, CH)], sem)
            for j in range(NCH)
        ]
        for c in copies:
            c.wait()
        pltpu.sync_copy(rows_v, out_hbm.at[pl.ds(base, b_per_w)])

    return k(emb, idx.reshape(NW, NCH, CH))


def kernel(x, enc0_w, enc0_b, enc0_g, enc0_be, enc1_w, enc1_b, enc1_g,
           enc1_be, prevq_w, prevq_b, emb, dec0_w, dec0_b, dec0_g, dec0_be,
           dec1_w, dec1_b, dec1_g, dec1_be, proj_w, proj_b, ro_w, ro_b):
    commitment_cost = 0.25
    enc1 = _lrelu(_group_norm(_conv2d(x, enc0_w, enc0_b, 1, 1), enc0_g, enc0_be))
    latent = _lrelu(_group_norm(_conv2d(enc1, enc1_w, enc1_b, 2, 1), enc1_g, enc1_be))
    z = _conv2d(latent, prevq_w, prevq_b, 1, 0)
    inputs = jnp.transpose(z, (0, 2, 3, 1))
    flat = inputs.reshape(-1, inputs.shape[-1])
    idx0, _kloss, perplexity = _topk_stage(flat, emb, commitment_cost)
    quant_flat = _sc_gather(emb, idx0)
    quant_nhwc = quant_flat.reshape(inputs.shape)
    e_latent_loss = jnp.mean((jax.lax.stop_gradient(quant_nhwc) - inputs) ** 2)
    loss = commitment_cost * e_latent_loss
    quantized = inputs + jax.lax.stop_gradient(quant_nhwc - inputs)
    qz = jnp.transpose(quantized, (0, 3, 1, 2))
    skip_p = _conv2d(enc1, proj_w, proj_b, 1, 0)
    hid = _lrelu(_group_norm(_conv_t2d(qz, dec0_w, dec0_b, 2, 1, 1), dec0_g, dec0_be))
    cat = jnp.concatenate([hid, skip_p], axis=1)
    y = _lrelu(_group_norm(_conv2d(cat, dec1_w, dec1_b, 1, 1), dec1_g, dec1_be))
    x_recon = _conv2d(y, ro_w, ro_b, 1, 0)
    return (loss, x_recon, perplexity)

# --- scband reference (transcript-rebuilt; emitter-appended) ---
"""Pipeline reference for scband-top-k-quantization-23304492548628 (READ-ONLY COPY).

The authoritative reference and input builder live on the scoring server;
editing this copy changes nothing except your own understanding.
"""

import jax, jax.numpy as jnp
import numpy as np


def conv2d(x, w, b, stride, pad):
    out = jax.lax.conv_general_dilated(x, w, (stride, stride), [(pad, pad), (pad, pad)], dimension_numbers=('NCHW', 'OIHW', 'NCHW'))
    return out + b[None, :, None, None]


def conv_t2d(x, w, b, stride, pad, out_pad):
    # w is torch ConvTranspose2d layout (Cin, Cout, kH, kW)
    wt = jnp.flip(jnp.transpose(w, (1, 0, 2, 3)), axis=(2, 3))
    k = w.shape[2]
    out = jax.lax.conv_general_dilated(x, wt, (1, 1), [(k - 1 - pad, k - 1 - pad + out_pad)] * 2, lhs_dilation=(stride, stride), dimension_numbers=('NCHW', 'OIHW', 'NCHW'))
    return out + b[None, :, None, None]


def group_norm(x, g, bta, groups=2, eps=1e-5):
    B, C, H, W = x.shape
    xg = x.reshape(B, groups, C // groups, H, W)
    m = xg.mean(axis=(2, 3, 4), keepdims=True)
    v = ((xg - m) ** 2).mean(axis=(2, 3, 4), keepdims=True)
    xn = ((xg - m) / jnp.sqrt(v + eps)).reshape(B, C, H, W)
    return xn * g[None, :, None, None] + bta[None, :, None, None]


def lrelu(x):
    return jnp.where(x >= 0, x, 0.2 * x)


def setup_inputs(seed: int = 0):
    key = jax.random.key(seed)
    ks = jax.random.split(key, 10)
    B, Cin, H, W = 2, 1, 224, 224
    nh, ed, K = 128, 128, 1024
    inp = {}
    inp['x'] = jax.random.normal(ks[0], (B, Cin, H, W), dtype=jnp.float32)
    inp['enc0_w'] = jax.random.normal(ks[1], (nh, Cin, 3, 3), dtype=jnp.float32) * 0.1
    inp['enc0_b'] = jnp.zeros((nh,), jnp.float32)
    inp['enc0_g'] = jnp.ones((nh,), jnp.float32)
    inp['enc0_be'] = jnp.zeros((nh,), jnp.float32)
    inp['enc1_w'] = jax.random.normal(ks[2], (nh, nh, 3, 3), dtype=jnp.float32) * 0.03
    inp['enc1_b'] = jnp.zeros((nh,), jnp.float32)
    inp['enc1_g'] = jnp.ones((nh,), jnp.float32)
    inp['enc1_be'] = jnp.zeros((nh,), jnp.float32)
    inp['prevq_w'] = jax.random.normal(ks[3], (ed, nh, 1, 1), dtype=jnp.float32) * 0.05
    inp['prevq_b'] = jnp.zeros((ed,), jnp.float32)
    inp['emb'] = jax.random.normal(ks[4], (K, ed), dtype=jnp.float32)
    inp['dec0_w'] = jax.random.normal(ks[5], (ed, ed, 3, 3), dtype=jnp.float32) * 0.03
    inp['dec0_b'] = jnp.zeros((ed,), jnp.float32)
    inp['dec0_g'] = jnp.ones((ed,), jnp.float32)
    inp['dec0_be'] = jnp.zeros((ed,), jnp.float32)
    inp['dec1_w'] = jax.random.normal(ks[6], (ed, 2 * ed, 3, 3), dtype=jnp.float32) * 0.02
    inp['dec1_b'] = jnp.zeros((ed,), jnp.float32)
    inp['dec1_g'] = jnp.ones((ed,), jnp.float32)
    inp['dec1_be'] = jnp.zeros((ed,), jnp.float32)
    inp['proj_w'] = jax.random.normal(ks[7], (ed, ed, 1, 1), dtype=jnp.float32) * 0.05
    inp['proj_b'] = jnp.zeros((ed,), jnp.float32)
    inp['ro_w'] = jax.random.normal(ks[8], (Cin, ed, 1, 1), dtype=jnp.float32) * 0.05
    inp['ro_b'] = jnp.zeros((Cin,), jnp.float32)
    return inp


def reference(x, enc0_w, enc0_b, enc0_g, enc0_be, enc1_w, enc1_b, enc1_g, enc1_be, prevq_w, prevq_b, emb, dec0_w, dec0_b, dec0_g, dec0_be, dec1_w, dec1_b, dec1_g, dec1_be, proj_w, proj_b, ro_w, ro_b):
    top_k = 3
    commitment_cost = 0.25
    # Encoder (strides [1, 2])
    enc1 = lrelu(group_norm(conv2d(x, enc0_w, enc0_b, 1, 1), enc0_g, enc0_be))
    latent = lrelu(group_norm(conv2d(enc1, enc1_w, enc1_b, 2, 1), enc1_g, enc1_be))
    # pre-VQ 1x1 conv
    z = conv2d(latent, prevq_w, prevq_b, 1, 0)
    # VQ-EMA (eval mode)
    inputs = jnp.transpose(z, (0, 2, 3, 1))
    flat = inputs.reshape(-1, inputs.shape[-1])
    d = jnp.sum(flat ** 2, axis=1, keepdims=True) + jnp.sum(emb ** 2, axis=1) - 2.0 * (flat @ emb.T)
    _, idx = jax.lax.top_k(-d, top_k)
    top_q = []
    enc_oh = None
    for i in range(top_k):
        enc_oh = jax.nn.one_hot(idx[:, i], emb.shape[0], dtype=flat.dtype)
        top_q.append((enc_oh @ emb).reshape(inputs.shape))
    e_latent_loss = jnp.mean((jax.lax.stop_gradient(top_q[0]) - inputs) ** 2)
    loss = commitment_cost * e_latent_loss
    quantized = inputs + jax.lax.stop_gradient(top_q[0] - inputs)
    avg_probs = jnp.mean(enc_oh, axis=0)
    perplexity = jnp.exp(-jnp.sum(avg_probs * jnp.log(avg_probs + 1e-10)))
    qz = jnp.transpose(quantized, (0, 3, 1, 2))
    # Decoder (reversed strides [2, 1]) with skip connection
    skip_p = conv2d(enc1, proj_w, proj_b, 1, 0)
    hid = lrelu(group_norm(conv_t2d(qz, dec0_w, dec0_b, 2, 1, 1), dec0_g, dec0_be))
    cat = jnp.concatenate([hid, skip_p], axis=1)
    y = lrelu(group_norm(conv2d(cat, dec1_w, dec1_b, 1, 1), dec1_g, dec1_be))
    x_recon = conv2d(y, ro_w, ro_b, 1, 0)
    return (loss, x_recon, perplexity)

if __name__ == "__main__":
    import jax
    _d = setup_inputs()
    print(jax.jit(kernel)(*tuple(_d.values())))

</pallas_src>

<mosaic_0001>
#map = affine_map<(d0, d1) -> (0, 0)>
#map1 = affine_map<(d0, d1) -> (0, 0, 0)>
module attributes {stable_mosaic.version = 14 : i64} {
  func.func @k(%arg0: i32, %arg1: i32, %arg2: memref<1024x128xf32, #tpu.memory_space<hbm>>, %arg3: memref<32x7x112xi32, #tpu.memory_space<hbm>>, %arg4: memref<25088x128xf32, #tpu.memory_space<hbm>>, %arg5: memref<7x112xi32, #tpu.memory_space<vmem>>, %arg6: memref<784x128xf32, #tpu.memory_space<vmem>>, %arg7: memref<1024x128xf32, #tpu.memory_space<vmem_shared>>, %arg8: memref<!tpu.dma_semaphore, #tpu.memory_space<semaphore_mem>>) attributes {dimension_semantics = [#tpu.dimension_semantics<core_parallel>, #tpu.dimension_semantics<subcore_parallel>], iteration_bounds = array<i64: 2, 16>, scalar_prefetch = 0 : i64, scratch_operands = 4 : i64, tpu.core_type = #tpu.core_type<sc_vector_subcore>, window_params = [{transform_indices = #map}, {transform_indices = #map1}, {transform_indices = #map}]} {
    %mul3A = arith.constant 2 : i32
    %mul3A_0 = arith.muli %arg1, %mul3A : i32
    %add3A = arith.addi %mul3A_0, %arg0 : i32
    %mul3A_1 = arith.constant 784 : i32
    %mul3A_2 = arith.muli %add3A, %mul3A_1 : i32
    %eq3A = arith.constant 0 : i32
    %eq3A_3 = arith.cmpi eq, %arg1, %eq3A : i32
    %convert_element_type3A = arith.extui %eq3A_3 : i1 to i32
    %cond3A = arith.constant 0 : i32
    %cond3A_4 = arith.cmpi ne, %convert_element_type3A, %cond3A : i32
    scf.if %cond3A_4 {
      "tpu.region"() ({
        %run_scoped3A = tpu.sem_alloc : memref<!tpu.dma_semaphore, #tpu.memory_space<semaphore_mem>>
        tpu.enqueue_dma source(%arg2 : memref<1024x128xf32, #tpu.memory_space<hbm>>) target(%arg7 : memref<1024x128xf32, #tpu.memory_space<vmem_shared>>) target_semaphore(%run_scoped3A : memref<!tpu.dma_semaphore, #tpu.memory_space<semaphore_mem>>)
        tpu.wait_dma2 semaphore(%run_scoped3A : memref<!tpu.dma_semaphore, #tpu.memory_space<semaphore_mem>>) src(%arg2 : memref<1024x128xf32, #tpu.memory_space<hbm>>) dst(%arg7 : memref<1024x128xf32, #tpu.memory_space<vmem_shared>>)
        tpu.yield
      }) : () -> ()
    } else {
    }
    %barrier3A = arith.constant 0 : index
    tpu.barrier barrier_id(%barrier3A)
    "tpu.region"() ({
      %run_scoped3A = tpu.sem_alloc : memref<!tpu.dma_semaphore, #tpu.memory_space<semaphore_mem>>
      %dma_start3A_143 = arith.constant 0 : i32
      %dma_start3A_144 = arith.constant 0 : i32
      %dma_start3A_145 = tpu.memref_slice %arg3[%add3A, %dma_start3A_143, %dma_start3A_144] : memref<32x7x112xi32, #tpu.memory_space<hbm>> -> memref<1x7x112xi32, #tpu.memory_space<hbm>>
      %dma_start3A_146 = tpu.memref_squeeze %dma_start3A_145 : memref<1x7x112xi32, #tpu.memory_space<hbm>> -> memref<7x112xi32, #tpu.memory_space<hbm>>
      %dma_start3A_147 = arith.constant 0 : i32
      %dma_start3A_148 = arith.constant 0 : i32
      %dma_start3A_149 = tpu.memref_slice %arg3[%add3A, %dma_start3A_147, %dma_start3A_148] : memref<32x7x112xi32, #tpu.memory_space<hbm>> -> memref<1x7x112xi32, #tpu.memory_space<hbm>>
      %dma_start3A_150 = tpu.memref_squeeze %dma_start3A_149 : memref<1x7x112xi32, #tpu.memory_space<hbm>> -> memref<7x112xi32, #tpu.memory_space<hbm>>
      tpu.enqueue_dma source(%dma_start3A_150 : memref<7x112xi32, #tpu.memory_space<hbm>>) target(%arg5 : memref<7x112xi32, #tpu.memory_space<vmem>>) target_semaphore(%run_scoped3A : memref<!tpu.dma_semaphore, #tpu.memory_space<semaphore_mem>>)
      %dma_wait3A_151 = arith.constant 0 : i32
      %dma_wait3A_152 = arith.constant 0 : i32
      %dma_wait3A_153 = tpu.memref_slice %arg3[%add3A, %dma_wait3A_151, %dma_wait3A_152] : memref<32x7x112xi32, #tpu.memory_space<hbm>> -> memref<1x7x112xi32, #tpu.memory_space<hbm>>
      %dma_wait3A_154 = tpu.memref_squeeze %dma_wait3A_153 : memref<1x7x112xi32, #tpu.memory_space<hbm>> -> memref<7x112xi32, #tpu.memory_space<hbm>>
      %dma_wait3A_155 = arith.constant 0 : i32
      %dma_wait3A_156 = arith.constant 0 : i32
      %dma_wait3A_157 = tpu.memref_slice %arg3[%add3A, %dma_wait3A_155, %dma_wait3A_156] : memref<32x7x112xi32, #tpu.memory_space<hbm>> -> memref<1x7x112xi32, #tpu.memory_space<hbm>>
      %dma_wait3A_158 = tpu.memref_squeeze %dma_wait3A_157 : memref<1x7x112xi32, #tpu.memory_space<hbm>> -> memref<7x112xi32, #tpu.memory_space<hbm>>
      tpu.wait_dma2 semaphore(%run_scoped3A : memref<!tpu.dma_semaphore, #tpu.memory_space<semaphore_mem>>) src(%dma_wait3A_158 : memref<7x112xi32, #tpu.memory_space<hbm>>) dst(%arg5 : memref<7x112xi32, #tpu.memory_space<vmem>>)
      tpu.yield
    }) : () -> ()
    %dma_start3A = arith.constant 0 : i32
    %dma_start3A_5 = arith.constant 0 : i32
    %dma_start3A_6 = arith.constant 0 : i32
    %dma_start3A_7 = tpu.memref_slice %arg6[%dma_start3A_5, %dma_start3A_6] : memref<784x128xf32, #tpu.memory_space<vmem>> -> memref<112x128xf32, #tpu.memory_space<vmem>>
    %dma_start3A_8 = arith.constant 0 : i32
    %dma_start3A_9 = tpu.memref_slice %arg5[%dma_start3A, %dma_start3A_8] : memref<7x112xi32, #tpu.memory_space<vmem>> -> memref<1x112xi32, #tpu.memory_space<vmem>>
    %dma_start3A_10 = tpu.memref_squeeze %dma_start3A_9 : memref<1x112xi32, #tpu.memory_space<vmem>> -> memref<112xi32, #tpu.memory_space<vmem>>
    %dma_start3A_11 = arith.constant 0 : i32
    %dma_start3A_12 = arith.constant 0 : i32
    %dma_start3A_13 = tpu.memref_slice %arg7[%dma_start3A_11, %dma_start3A_12] : memref<1024x128xf32, #tpu.memory_space<vmem_shared>> -> memref<1024x128xf32, #tpu.memory_space<vmem_shared>>
    tpu.enqueue_indirect_dma source(%dma_start3A_13 : memref<1024x128xf32, #tpu.memory_space<vmem_shared>>) target(%dma_start3A_7 : memref<112x128xf32, #tpu.memory_space<vmem>>) offsets(%dma_start3A_10 : memref<112xi32, #tpu.memory_space<vmem>>) semaphore(%arg8 : memref<!tpu.dma_semaphore, #tpu.memory_space<semaphore_mem>>)
    %dma_start3A_14 = arith.constant 1 : i32
    %dma_start3A_15 = arith.constant 112 : i32
    %dma_start3A_16 = arith.constant 0 : i32
    %dma_start3A_17 = tpu.memref_slice %arg6[%dma_start3A_15, %dma_start3A_16] : memref<784x128xf32, #tpu.memory_space<vmem>> -> memref<112x128xf32, #tpu.memory_space<vmem>>
    %dma_start3A_18 = arith.constant 0 : i32
    %dma_start3A_19 = tpu.memref_slice %arg5[%dma_start3A_14, %dma_start3A_18] : memref<7x112xi32, #tpu.memory_space<vmem>> -> memref<1x112xi32, #tpu.memory_space<vmem>>
    %dma_start3A_20 = tpu.memref_squeeze %dma_start3A_19 : memref<1x112xi32, #tpu.memory_space<vmem>> -> memref<112xi32, #tpu.memory_space<vmem>>
    %dma_start3A_21 = arith.constant 0 : i32
    %dma_start3A_22 = arith.constant 0 : i32
    %dma_start3A_23 = tpu.memref_slice %arg7[%dma_start3A_21, %dma_start3A_22] : memref<1024x128xf32, #tpu.memory_space<vmem_shared>> -> memref<1024x128xf32, #tpu.memory_space<vmem_shared>>
    tpu.enqueue_indirect_dma source(%dma_start3A_23 : memref<1024x128xf32, #tpu.memory_space<vmem_shared>>) target(%dma_start3A_17 : memref<112x128xf32, #tpu.memory_space<vmem>>) offsets(%dma_start3A_20 : memref<112xi32, #tpu.memory_space<vmem>>) semaphore(%arg8 : memref<!tpu.dma_semaphore, #tpu.memory_space<semaphore_mem>>)
    %dma_start3A_24 = arith.constant 2 : i32
    %dma_start3A_25 = arith.constant 224 : i32
    %dma_start3A_26 = arith.constant 0 : i32
    %dma_start3A_27 = tpu.memref_slice %arg6[%dma_start3A_25, %dma_start3A_26] : memref<784x128xf32, #tpu.memory_space<vmem>> -> memref<112x128xf32, #tpu.memory_space<vmem>>
    %dma_start3A_28 = arith.constant 0 : i32
    %dma_start3A_29 = tpu.memref_slice %arg5[%dma_start3A_24, %dma_start3A_28] : memref<7x112xi32, #tpu.memory_space<vmem>> -> memref<1x112xi32, #tpu.memory_space<vmem>>
    %dma_start3A_30 = tpu.memref_squeeze %dma_start3A_29 : memref<1x112xi32, #tpu.memory_space<vmem>> -> memref<112xi32, #tpu.memory_space<vmem>>
    %dma_start3A_31 = arith.constant 0 : i32
    %dma_start3A_32 = arith.constant 0 : i32
    %dma_start3A_33 = tpu.memref_slice %arg7[%dma_start3A_31, %dma_start3A_32] : memref<1024x128xf32, #tpu.memory_space<vmem_shared>> -> memref<1024x128xf32, #tpu.memory_space<vmem_shared>>
    tpu.enqueue_indirect_dma source(%dma_start3A_33 : memref<1024x128xf32, #tpu.memory_space<vmem_shared>>) target(%dma_start3A_27 : memref<112x128xf32, #tpu.memory_space<vmem>>) offsets(%dma_start3A_30 : memref<112xi32, #tpu.memory_space<vmem>>) semaphore(%arg8 : memref<!tpu.dma_semaphore, #tpu.memory_space<semaphore_mem>>)
    %dma_start3A_34 = arith.constant 3 : i32
    %dma_start3A_35 = arith.constant 336 : i32
    %dma_start3A_36 = arith.constant 0 : i32
    %dma_start3A_37 = tpu.memref_slice %arg6[%dma_start3A_35, %dma_start3A_36] : memref<784x128xf32, #tpu.memory_space<vmem>> -> memref<112x128xf32, #tpu.memory_space<vmem>>
    %dma_start3A_38 = arith.constant 0 : i32
    %dma_start3A_39 = tpu.memref_slice %arg5[%dma_start3A_34, %dma_start3A_38] : memref<7x112xi32, #tpu.memory_space<vmem>> -> memref<1x112xi32, #tpu.memory_space<vmem>>
    %dma_start3A_40 = tpu.memref_squeeze %dma_start3A_39 : memref<1x112xi32, #tpu.memory_space<vmem>> -> memref<112xi32, #tpu.memory_space<vmem>>
    %dma_start3A_41 = arith.constant 0 : i32
    %dma_start3A_42 = arith.constant 0 : i32
    %dma_start3A_43 = tpu.memref_slice %arg7[%dma_start3A_41, %dma_start3A_42] : memref<1024x128xf32, #tpu.memory_space<vmem_shared>> -> memref<1024x128xf32, #tpu.memory_space<vmem_shared>>
    tpu.enqueue_indirect_dma source(%dma_start3A_43 : memref<1024x128xf32, #tpu.memory_space<vmem_shared>>) target(%dma_start3A_37 : memref<112x128xf32, #tpu.memory_space<vmem>>) offsets(%dma_start3A_40 : memref<112xi32, #tpu.memory_space<vmem>>) semaphore(%arg8 : memref<!tpu.dma_semaphore, #tpu.memory_space<semaphore_mem>>)
    %dma_start3A_44 = arith.constant 4 : i32
    %dma_start3A_45 = arith.constant 448 : i32
    %dma_start3A_46 = arith.constant 0 : i32
    %dma_start3A_47 = tpu.memref_slice %arg6[%dma_start3A_45, %dma_start3A_46] : memref<784x128xf32, #tpu.memory_space<vmem>> -> memref<112x128xf32, #tpu.memory_space<vmem>>
    %dma_start3A_48 = arith.constant 0 : i32
    %dma_start3A_49 = tpu.memref_slice %arg5[%dma_start3A_44, %dma_start3A_48] : memref<7x112xi32, #tpu.memory_space<vmem>> -> memref<1x112xi32, #tpu.memory_space<vmem>>
    %dma_start3A_50 = tpu.memref_squeeze %dma_start3A_49 : memref<1x112xi32, #tpu.memory_space<vmem>> -> memref<112xi32, #tpu.memory_space<vmem>>
    %dma_start3A_51 = arith.constant 0 : i32
    %dma_start3A_52 = arith.constant 0 : i32
    %dma_start3A_53 = tpu.memref_slice %arg7[%dma_start3A_51, %dma_start3A_52] : memref<1024x128xf32, #tpu.memory_space<vmem_shared>> -> memref<1024x128xf32, #tpu.memory_space<vmem_shared>>
    tpu.enqueue_indirect_dma source(%dma_start3A_53 : memref<1024x128xf32, #tpu.memory_space<vmem_shared>>) target(%dma_start3A_47 : memref<112x128xf32, #tpu.memory_space<vmem>>) offsets(%dma_start3A_50 : memref<112xi32, #tpu.memory_space<vmem>>) semaphore(%arg8 : memref<!tpu.dma_semaphore, #tpu.memory_space<semaphore_mem>>)
    %dma_start3A_54 = arith.constant 5 : i32
    %dma_start3A_55 = arith.constant 560 : i32
    %dma_start3A_56 = arith.constant 0 : i32
    %dma_start3A_57 = tpu.memref_slice %arg6[%dma_start3A_55, %dma_start3A_56] : memref<784x128xf32, #tpu.memory_space<vmem>> -> memref<112x128xf32, #tpu.memory_space<vmem>>
    %dma_start3A_58 = arith.constant 0 : i32
    %dma_start3A_59 = tpu.memref_slice %arg5[%dma_start3A_54, %dma_start3A_58] : memref<7x112xi32, #tpu.memory_space<vmem>> -> memref<1x112xi32, #tpu.memory_space<vmem>>
    %dma_start3A_60 = tpu.memref_squeeze %dma_start3A_59 : memref<1x112xi32, #tpu.memory_space<vmem>> -> memref<112xi32, #tpu.memory_space<vmem>>
    %dma_start3A_61 = arith.constant 0 : i32
    %dma_start3A_62 = arith.constant 0 : i32
    %dma_start3A_63 = tpu.memref_slice %arg7[%dma_start3A_61, %dma_start3A_62] : memref<1024x128xf32, #tpu.memory_space<vmem_shared>> -> memref<1024x128xf32, #tpu.memory_space<vmem_shared>>
    tpu.enqueue_indirect_dma source(%dma_start3A_63 : memref<1024x128xf32, #tpu.memory_space<vmem_shared>>) target(%dma_start3A_57 : memref<112x128xf32, #tpu.memory_space<vmem>>) offsets(%dma_start3A_60 : memref<112xi32, #tpu.memory_space<vmem>>) semaphore(%arg8 : memref<!tpu.dma_semaphore, #tpu.memory_space<semaphore_mem>>)
    %dma_start3A_64 = arith.constant 6 : i32
    %dma_start3A_65 = arith.constant 672 : i32
    %dma_start3A_66 = arith.constant 0 : i32
    %dma_start3A_67 = tpu.memref_slice %arg6[%dma_start3A_65, %dma_start3A_66] : memref<784x128xf32, #tpu.memory_space<vmem>> -> memref<112x128xf32, #tpu.memory_space<vmem>>
    %dma_start3A_68 = arith.constant 0 : i32
    %dma_start3A_69 = tpu.memref_slice %arg5[%dma_start3A_64, %dma_start3A_68] : memref<7x112xi32, #tpu.memory_space<vmem>> -> memref<1x112xi32, #tpu.memory_space<vmem>>
    %dma_start3A_70 = tpu.memref_squeeze %dma_start3A_69 : memref<1x112xi32, #tpu.memory_space<vmem>> -> memref<112xi32, #tpu.memory_space<vmem>>
    %dma_start3A_71 = arith.constant 0 : i32
    %dma_start3A_72 = arith.constant 0 : i32
    %dma_start3A_73 = tpu.memref_slice %arg7[%dma_start3A_71, %dma_start3A_72] : memref<1024x128xf32, #tpu.memory_space<vmem_shared>> -> memref<1024x128xf32, #tpu.memory_space<vmem_shared>>
    tpu.enqueue_indirect_dma source(%dma_start3A_73 : memref<1024x128xf32, #tpu.memory_space<vmem_shared>>) target(%dma_start3A_67 : memref<112x128xf32, #tpu.memory_space<vmem>>) offsets(%dma_start3A_70 : memref<112xi32, #tpu.memory_space<vmem>>) semaphore(%arg8 : memref<!tpu.dma_semaphore, #tpu.memory_space<semaphore_mem>>)
    %dma_wait3A = arith.constant 0 : i32
    %dma_wait3A_74 = arith.constant 0 : i32
    %dma_wait3A_75 = arith.constant 0 : i32
    %dma_wait3A_76 = tpu.memref_slice %arg6[%dma_wait3A_74, %dma_wait3A_75] : memref<784x128xf32, #tpu.memory_space<vmem>> -> memref<112x128xf32, #tpu.memory_space<vmem>>
    %dma_wait3A_77 = arith.constant 0 : i32
    %dma_wait3A_78 = tpu.memref_slice %arg5[%dma_wait3A, %dma_wait3A_77] : memref<7x112xi32, #tpu.memory_space<vmem>> -> memref<1x112xi32, #tpu.memory_space<vmem>>
    %dma_wait3A_79 = tpu.memref_squeeze %dma_wait3A_78 : memref<1x112xi32, #tpu.memory_space<vmem>> -> memref<112xi32, #tpu.memory_space<vmem>>
    %dma_wait3A_80 = arith.constant 0 : i32
    %dma_wait3A_81 = arith.constant 0 : i32
    %dma_wait3A_82 = tpu.memref_slice %arg7[%dma_wait3A_80, %dma_wait3A_81] : memref<1024x128xf32, #tpu.memory_space<vmem_shared>> -> memref<1024x128xf32, #tpu.memory_space<vmem_shared>>
    tpu.wait_indirect_dma semaphore(%arg8 : memref<!tpu.dma_semaphore, #tpu.memory_space<semaphore_mem>>) src(%dma_wait3A_82 : memref<1024x128xf32, #tpu.memory_space<vmem_shared>>) dst(%dma_wait3A_76 : memref<112x128xf32, #tpu.memory_space<vmem>>)
    %dma_wait3A_83 = arith.constant 1 : i32
    %dma_wait3A_84 = arith.constant 112 : i32
    %dma_wait3A_85 = arith.constant 0 : i32
    %dma_wait3A_86 = tpu.memref_slice %arg6[%dma_wait3A_84, %dma_wait3A_85] : memref<784x128xf32, #tpu.memory_space<vmem>> -> memref<112x128xf32, #tpu.memory_space<vmem>>
    %dma_wait3A_87 = arith.constant 0 : i32
    %dma_wait3A_88 = tpu.memref_slice %arg5[%dma_wait3A_83, %dma_wait3A_87] : memref<7x112xi32, #tpu.memory_space<vmem>> -> memref<1x112xi32, #tpu.memory_space<vmem>>
    %dma_wait3A_89 = tpu.memref_squeeze %dma_wait3A_88 : memref<1x112xi32, #tpu.memory_space<vmem>> -> memref<112xi32, #tpu.memory_space<vmem>>
    %dma_wait3A_90 = arith.constant 0 : i32
    %dma_wait3A_91 = arith.constant 0 : i32
    %dma_wait3A_92 = tpu.memref_slice %arg7[%dma_wait3A_90, %dma_wait3A_91] : memref<1024x128xf32, #tpu.memory_space<vmem_shared>> -> memref<1024x128xf32, #tpu.memory_space<vmem_shared>>
    tpu.wait_indirect_dma semaphore(%arg8 : memref<!tpu.dma_semaphore, #tpu.memory_space<semaphore_mem>>) src(%dma_wait3A_92 : memref<1024x128xf32, #tpu.memory_space<vmem_shared>>) dst(%dma_wait3A_86 : memref<112x128xf32, #tpu.memory_space<vmem>>)
    %dma_wait3A_93 = arith.constant 2 : i32
    %dma_wait3A_94 = arith.constant 224 : i32
    %dma_wait3A_95 = arith.constant 0 : i32
    %dma_wait3A_96 = tpu.memref_slice %arg6[%dma_wait3A_94, %dma_wait3A_95] : memref<784x128xf32, #tpu.memory_space<vmem>> -> memref<112x128xf32, #tpu.memory_space<vmem>>
    %dma_wait3A_97 = arith.constant 0 : i32
    %dma_wait3A_98 = tpu.memref_slice %arg5[%dma_wait3A_93, %dma_wait3A_97] : memref<7x112xi32, #tpu.memory_space<vmem>> -> memref<1x112xi32, #tpu.memory_space<vmem>>
    %dma_wait3A_99 = tpu.memref_squeeze %dma_wait3A_98 : memref<1x112xi32, #tpu.memory_space<vmem>> -> memref<112xi32, #tpu.memory_space<vmem>>
    %dma_wait3A_100 = arith.constant 0 : i32
    %dma_wait3A_101 = arith.constant 0 : i32
    %dma_wait3A_102 = tpu.memref_slice %arg7[%dma_wait3A_100, %dma_wait3A_101] : memref<1024x128xf32, #tpu.memory_space<vmem_shared>> -> memref<1024x128xf32, #tpu.memory_space<vmem_shared>>
    tpu.wait_indirect_dma semaphore(%arg8 : memref<!tpu.dma_semaphore, #tpu.memory_space<semaphore_mem>>) src(%dma_wait3A_102 : memref<1024x128xf32, #tpu.memory_space<vmem_shared>>) dst(%dma_wait3A_96 : memref<112x128xf32, #tpu.memory_space<vmem>>)
    %dma_wait3A_103 = arith.constant 3 : i32
    %dma_wait3A_104 = arith.constant 336 : i32
    %dma_wait3A_105 = arith.constant 0 : i32
    %dma_wait3A_106 = tpu.memref_slice %arg6[%dma_wait3A_104, %dma_wait3A_105] : memref<784x128xf32, #tpu.memory_space<vmem>> -> memref<112x128xf32, #tpu.memory_space<vmem>>
    %dma_wait3A_107 = arith.constant 0 : i32
    %dma_wait3A_108 = tpu.memref_slice %arg5[%dma_wait3A_103, %dma_wait3A_107] : memref<7x112xi32, #tpu.memory_space<vmem>> -> memref<1x112xi32, #tpu.memory_space<vmem>>
    %dma_wait3A_109 = tpu.memref_squeeze %dma_wait3A_108 : memref<1x112xi32, #tpu.memory_space<vmem>> -> memref<112xi32, #tpu.memory_space<vmem>>
    %dma_wait3A_110 = arith.constant 0 : i32
    %dma_wait3A_111 = arith.constant 0 : i32
    %dma_wait3A_112 = tpu.memref_slice %arg7[%dma_wait3A_110, %dma_wait3A_111] : memref<1024x128xf32, #tpu.memory_space<vmem_shared>> -> memref<1024x128xf32, #tpu.memory_space<vmem_shared>>
    tpu.wait_indirect_dma semaphore(%arg8 : memref<!tpu.dma_semaphore, #tpu.memory_space<semaphore_mem>>) src(%dma_wait3A_112 : memref<1024x128xf32, #tpu.memory_space<vmem_shared>>) dst(%dma_wait3A_106 : memref<112x128xf32, #tpu.memory_space<vmem>>)
    %dma_wait3A_113 = arith.constant 4 : i32
    %dma_wait3A_114 = arith.constant 448 : i32
    %dma_wait3A_115 = arith.constant 0 : i32
    %dma_wait3A_116 = tpu.memref_slice %arg6[%dma_wait3A_114, %dma_wait3A_115] : memref<784x128xf32, #tpu.memory_space<vmem>> -> memref<112x128xf32, #tpu.memory_space<vmem>>
    %dma_wait3A_117 = arith.constant 0 : i32
    %dma_wait3A_118 = tpu.memref_slice %arg5[%dma_wait3A_113, %dma_wait3A_117] : memref<7x112xi32, #tpu.memory_space<vmem>> -> memref<1x112xi32, #tpu.memory_space<vmem>>
    %dma_wait3A_119 = tpu.memref_squeeze %dma_wait3A_118 : memref<1x112xi32, #tpu.memory_space<vmem>> -> memref<112xi32, #tpu.memory_space<vmem>>
    %dma_wait3A_120 = arith.constant 0 : i32
    %dma_wait3A_121 = arith.constant 0 : i32
    %dma_wait3A_122 = tpu.memref_slice %arg7[%dma_wait3A_120, %dma_wait3A_121] : memref<1024x128xf32, #tpu.memory_space<vmem_shared>> -> memref<1024x128xf32, #tpu.memory_space<vmem_shared>>
    tpu.wait_indirect_dma semaphore(%arg8 : memref<!tpu.dma_semaphore, #tpu.memory_space<semaphore_mem>>) src(%dma_wait3A_122 : memref<1024x128xf32, #tpu.memory_space<vmem_shared>>) dst(%dma_wait3A_116 : memref<112x128xf32, #tpu.memory_space<vmem>>)
    %dma_wait3A_123 = arith.constant 5 : i32
    %dma_wait3A_124 = arith.constant 560 : i32
    %dma_wait3A_125 = arith.constant 0 : i32
    %dma_wait3A_126 = tpu.memref_slice %arg6[%dma_wait3A_124, %dma_wait3A_125] : memref<784x128xf32, #tpu.memory_space<vmem>> -> memref<112x128xf32, #tpu.memory_space<vmem>>
    %dma_wait3A_127 = arith.constant 0 : i32
    %dma_wait3A_128 = tpu.memref_slice %arg5[%dma_wait3A_123, %dma_wait3A_127] : memref<7x112xi32, #tpu.memory_space<vmem>> -> memref<1x112xi32, #tpu.memory_space<vmem>>
    %dma_wait3A_129 = tpu.memref_squeeze %dma_wait3A_128 : memref<1x112xi32, #tpu.memory_space<vmem>> -> memref<112xi32, #tpu.memory_space<vmem>>
    %dma_wait3A_130 = arith.constant 0 : i32
    %dma_wait3A_131 = arith.constant 0 : i32
    %dma_wait3A_132 = tpu.memref_slice %arg7[%dma_wait3A_130, %dma_wait3A_131] : memref<1024x128xf32, #tpu.memory_space<vmem_shared>> -> memref<1024x128xf32, #tpu.memory_space<vmem_shared>>
    tpu.wait_indirect_dma semaphore(%arg8 : memref<!tpu.dma_semaphore, #tpu.memory_space<semaphore_mem>>) src(%dma_wait3A_132 : memref<1024x128xf32, #tpu.memory_space<vmem_shared>>) dst(%dma_wait3A_126 : memref<112x128xf32, #tpu.memory_space<vmem>>)
    %dma_wait3A_133 = arith.constant 6 : i32
    %dma_wait3A_134 = arith.constant 672 : i32
    %dma_wait3A_135 = arith.constant 0 : i32
    %dma_wait3A_136 = tpu.memref_slice %arg6[%dma_wait3A_134, %dma_wait3A_135] : memref<784x128xf32, #tpu.memory_space<vmem>> -> memref<112x128xf32, #tpu.memory_space<vmem>>
    %dma_wait3A_137 = arith.constant 0 : i32
    %dma_wait3A_138 = tpu.memref_slice %arg5[%dma_wait3A_133, %dma_wait3A_137] : memref<7x112xi32, #tpu.memory_space<vmem>> -> memref<1x112xi32, #tpu.memory_space<vmem>>
    %dma_wait3A_139 = tpu.memref_squeeze %dma_wait3A_138 : memref<1x112xi32, #tpu.memory_space<vmem>> -> memref<112xi32, #tpu.memory_space<vmem>>
    %dma_wait3A_140 = arith.constant 0 : i32
    %dma_wait3A_141 = arith.constant 0 : i32
    %dma_wait3A_142 = tpu.memref_slice %arg7[%dma_wait3A_140, %dma_wait3A_141] : memref<1024x128xf32, #tpu.memory_space<vmem_shared>> -> memref<1024x128xf32, #tpu.memory_space<vmem_shared>>
    tpu.wait_indirect_dma semaphore(%arg8 : memref<!tpu.dma_semaphore, #tpu.memory_space<semaphore_mem>>) src(%dma_wait3A_142 : memref<1024x128xf32, #tpu.memory_space<vmem_shared>>) dst(%dma_wait3A_136 : memref<112x128xf32, #tpu.memory_space<vmem>>)
    "tpu.region"() ({
      %run_scoped3A = tpu.sem_alloc : memref<!tpu.dma_semaphore, #tpu.memory_space<semaphore_mem>>
      %dma_start3A_143 = arith.constant 0 : i32
      %dma_start3A_144 = tpu.memref_slice %arg4[%mul3A_2, %dma_start3A_143] : memref<25088x128xf32, #tpu.memory_space<hbm>> -> memref<784x128xf32, #tpu.memory_space<hbm>>
      %dma_start3A_145 = arith.constant 0 : i32
      %dma_start3A_146 = tpu.memref_slice %arg4[%mul3A_2, %dma_start3A_145] : memref<25088x128xf32, #tpu.memory_space<hbm>> -> memref<784x128xf32, #tpu.memory_space<hbm>>
      tpu.enqueue_dma source(%arg6 : memref<784x128xf32, #tpu.memory_space<vmem>>) target(%dma_start3A_146 : memref<784x128xf32, #tpu.memory_space<hbm>>) target_semaphore(%run_scoped3A : memref<!tpu.dma_semaphore, #tpu.memory_space<semaphore_mem>>)
      %dma_wait3A_147 = arith.constant 0 : i32
      %dma_wait3A_148 = tpu.memref_slice %arg4[%mul3A_2, %dma_wait3A_147] : memref<25088x128xf32, #tpu.memory_space<hbm>> -> memref<784x128xf32, #tpu.memory_space<hbm>>
      %dma_wait3A_149 = arith.constant 0 : i32
      %dma_wait3A_150 = tpu.memref_slice %arg4[%mul3A_2, %dma_wait3A_149] : memref<25088x128xf32, #tpu.memory_space<hbm>> -> memref<784x128xf32, #tpu.memory_space<hbm>>
      tpu.wait_dma2 semaphore(%run_scoped3A : memref<!tpu.dma_semaphore, #tpu.memory_space<semaphore_mem>>) src(%arg6 : memref<784x128xf32, #tpu.memory_space<vmem>>) dst(%dma_wait3A_150 : memref<784x128xf32, #tpu.memory_space<hbm>>)
      tpu.yield
    }) : () -> ()
    return
  }
}

module attributes {stable_mosaic.version = 14 : i64} {
  func.func @_topk_body(%arg0: i32, %arg1: memref<512x128xf32, #tpu.memory_space<vmem>>, %arg2: memref<1024x128xf32, #tpu.memory_space<vmem>>, %arg3: memref<512x1xf32, #tpu.memory_space<vmem>>, %arg4: memref<1x1024xf32, #tpu.memory_space<vmem>>, %arg5: memref<512x1xi32, #tpu.memory_space<vmem>>, %arg6: memref<1x1xf32, #tpu.memory_space<vmem>>, %arg7: memref<1x1xf32, #tpu.memory_space<vmem>>, %arg8: memref<1x1024xf32, #tpu.memory_space<vmem>>, %arg9: memref<1x1xf32, #tpu.memory_space<vmem>>) attributes {dimension_semantics = [#tpu.dimension_semantics<arbitrary>], iteration_bounds = array<i64: 49>, scalar_prefetch = 0 : i64, scratch_operands = 2 : i64, tpu.core_type = #tpu.core_type<tc>, window_params = [{transform_indices = @transform_0, window_bounds = array<i64: 512, 128>}, {pipeline_mode = #tpu.pipeline_mode<synchronous>, transform_indices = @transform_1, window_bounds = array<i64: 1024, 128>}, {transform_indices = @transform_2, window_bounds = array<i64: 512, 1>}, {pipeline_mode = #tpu.pipeline_mode<synchronous>, transform_indices = @transform_3, window_bounds = array<i64: 1, 1024>}, {transform_indices = @transform_4, window_bounds = array<i64: 512, 1>}, {pipeline_mode = #tpu.pipeline_mode<synchronous>, transform_indices = @transform_5, window_bounds = array<i64: 1, 1>}, {pipeline_mode = #tpu.pipeline_mode<synchronous>, transform_indices = @transform_6, window_bounds = array<i64: 1, 1>}]} {
    %get3A = arith.constant 0 : index
    %get3A_0 = arith.constant 0 : index
    %get3A_1 = vector.load %arg1[%get3A, %get3A_0] : memref<512x128xf32, #tpu.memory_space<vmem>>, vector<512x128xf32>
    %get3A_2 = arith.constant 0 : index
    %get3A_3 = arith.constant 0 : index
    %get3A_4 = vector.load %arg2[%get3A_2, %get3A_3] : memref<1024x128xf32, #tpu.memory_space<vmem>>, vector<1024x128xf32>
    %dot_general3A = arith.constant dense<0.000000e+00> : vector<512x1024xf32>
    %dot_general3A_5 = tpu.matmul %get3A_1, %get3A_4, %dot_general3A {dimension_numbers = #tpu.dot_dimension_numbers<[1], [1], [0], [0], [0, 0, 1, 0], [], []>, transpose_lhs_hint = false} : vector<512x128xf32>, vector<1024x128xf32>, vector<512x1024xf32> -> vector<512x1024xf32>
    %get3A_6 = arith.constant 0 : index
    %get3A_7 = arith.constant 0 : index
    %get3A_8 = vector.load %arg3[%get3A_6, %get3A_7] : memref<512x1xf32, #tpu.memory_space<vmem>>, vector<512x1xf32>
    %get3A_9 = arith.constant 0 : index
    %get3A_10 = arith.constant 0 : index
    %get3A_11 = vector.load %arg4[%get3A_9, %get3A_10] : memref<1x1024xf32, #tpu.memory_space<vmem>>, vector<1x1024xf32>
    %add3A = vector.broadcast %get3A_8 : vector<512x1xf32> to vector<512x1024xf32>
    %add3A_12 = vector.broadcast %get3A_11 : vector<1x1024xf32> to vector<512x1024xf32>
    %add3A_13 = arith.addf %add3A, %add3A_12 : vector<512x1024xf32>
    %mul3A = arith.constant 2.000000e+00 : f32
    %mul3A_14 = vector.broadcast %mul3A : f32 to vector<512x1024xf32>
    %mul3A_15 = arith.mulf %mul3A_14, %dot_general3A_5 : vector<512x1024xf32>
    %sub3A = arith.subf %add3A_13, %mul3A_15 : vector<512x1024xf32>
    %iota3A = tpu.iota {dimensions = array<i32: 1>} : vector<512x1024xi32>
    %convert_element_type3A = arith.sitofp %iota3A : vector<512x1024xi32> to vector<512x1024xf32>
    %reduce_min3A = arith.constant dense<0x7F800000> : vector<512xf32>
    %reduce_min3A_16 = vector.multi_reduction <minimumf>, %sub3A, %reduce_min3A [1] : vector<512x1024xf32> to vector<512xf32>
    %broadcast_in_dim3A = vector.shape_cast %reduce_min3A_16 : vector<512xf32> to vector<512x1xf32>
    %eq3A = vector.broadcast %broadcast_in_dim3A : vector<512x1xf32> to vector<512x1024xf32>
    %eq3A_17 = arith.cmpf oeq, %sub3A, %eq3A : vector<512x1024xf32>
    %jit3A = arith.constant 1.024000e+03 : f32
    %broadcast_in_dim3A_18 = vector.broadcast %jit3A : f32 to vector<512x1024xf32>
    %select_n3A = arith.select %eq3A_17, %convert_element_type3A, %broadcast_in_dim3A_18 : vector<512x1024xi1>, vector<512x1024xf32>
    %reduce_min3A_19 = arith.constant dense<0x7F800000> : vector<512xf32>
    %reduce_min3A_20 = vector.multi_reduction <minimumf>, %select_n3A, %reduce_min3A_19 [1] : vector<512x1024xf32> to vector<512xf32>
    %broadcast_in_dim3A_21 = vector.shape_cast %reduce_min3A_20 : vector<512xf32> to vector<512x1xf32>
    %eq3A_22 = vector.broadcast %broadcast_in_dim3A_21 : vector<512x1xf32> to vector<512x1024xf32>
    %eq3A_23 = arith.cmpf oeq, %convert_element_type3A, %eq3A_22 : vector<512x1024xf32>
    %jit3A_24 = arith.constant 0x7F800000 : f32
    %broadcast_in_dim3A_25 = vector.broadcast %jit3A_24 : f32 to vector<512x1024xf32>
    %select_n3A_26 = arith.select %eq3A_23, %broadcast_in_dim3A_25, %sub3A : vector<512x1024xi1>, vector<512x1024xf32>
    %reduce_min3A_27 = arith.constant dense<0x7F800000> : vector<512xf32>
    %reduce_min3A_28 = vector.multi_reduction <minimumf>, %select_n3A_26, %reduce_min3A_27 [1] : vector<512x1024xf32> to vector<512xf32>
    %broadcast_in_dim3A_29 = vector.shape_cast %reduce_min3A_28 : vector<512xf32> to vector<512x1xf32>
    %eq3A_30 = vector.broadcast %broadcast_in_dim3A_29 : vector<512x1xf32> to vector<512x1024xf32>
    %eq3A_31 = arith.cmpf oeq, %select_n3A_26, %eq3A_30 : vector<512x1024xf32>
    %jit3A_32 = arith.constant 1.024000e+03 : f32
    %broadcast_in_dim3A_33 = vector.broadcast %jit3A_32 : f32 to vector<512x1024xf32>
    %select_n3A_34 = arith.select %eq3A_31, %convert_element_type3A, %broadcast_in_dim3A_33 : vector<512x1024xi1>, vector<512x1024xf32>
    %reduce_min3A_35 = arith.constant dense<0x7F800000> : vector<512xf32>
    %reduce_min3A_36 = vector.multi_reduction <minimumf>, %select_n3A_34, %reduce_min3A_35 [1] : vector<512x1024xf32> to vector<512xf32>
    %broadcast_in_dim3A_37 = vector.shape_cast %reduce_min3A_36 : vector<512xf32> to vector<512x1xf32>
    %eq3A_38 = vector.broadcast %broadcast_in_dim3A_37 : vector<512x1xf32> to vector<512x1024xf32>
    %eq3A_39 = arith.cmpf oeq, %convert_element_type3A, %eq3A_38 : vector<512x1024xf32>
    %jit3A_40 = arith.constant 0x7F800000 : f32
    %broadcast_in_dim3A_41 = vector.broadcast %jit3A_40 : f32 to vector<512x1024xf32>
    %select_n3A_42 = arith.select %eq3A_39, %broadcast_in_dim3A_41, %select_n3A_26 : vector<512x1024xi1>, vector<512x1024xf32>
    %reduce_min3A_43 = arith.constant dense<0x7F800000> : vector<512xf32>
    %reduce_min3A_44 = vector.multi_reduction <minimumf>, %select_n3A_42, %reduce_min3A_43 [1] : vector<512x1024xf32> to vector<512xf32>
    %broadcast_in_dim3A_45 = vector.shape_cast %reduce_min3A_44 : vector<512xf32> to vector<512x1xf32>
    %eq3A_46 = vector.broadcast %broadcast_in_dim3A_45 : vector<512x1xf32> to vector<512x1024xf32>
    %eq3A_47 = arith.cmpf oeq, %select_n3A_42, %eq3A_46 : vector<512x1024xf32>
    %jit3A_48 = arith.constant 1.024000e+03 : f32
    %broadcast_in_dim3A_49 = vector.broadcast %jit3A_48 : f32 to vector<512x1024xf32>
    %select_n3A_50 = arith.select %eq3A_47, %convert_element_type3A, %broadcast_in_dim3A_49 : vector<512x1024xi1>, vector<512x1024xf32>
    %reduce_min3A_51 = arith.constant dense<0x7F800000> : vector<512xf32>
    %reduce_min3A_52 = vector.multi_reduction <minimumf>, %select_n3A_50, %reduce_min3A_51 [1] : vector<512x1024xf32> to vector<512xf32>
    %broadcast_in_dim3A_53 = vector.shape_cast %reduce_min3A_52 : vector<512xf32> to vector<512x1xf32>
    %convert_element_type3A_54 = arith.fptosi %broadcast_in_dim3A_21 : vector<512x1xf32> to vector<512x1xi32>
    %swap3A = arith.constant 0 : index
    %swap3A_55 = arith.constant 0 : index
    %swap3A_56 = vector.load %arg5[%swap3A, %swap3A_55] : memref<512x1xi32, #tpu.memory_space<vmem>>, vector<512x1xi32>
    tpu.vector_store %arg5[%swap3A, %swap3A_55], %convert_element_type3A_54 {strides = array<i32>} : memref<512x1xi32, #tpu.memory_space<vmem>>, vector<512x1xi32>,
    %reduce_sum3A = vector.shape_cast %broadcast_in_dim3A : vector<512x1xf32> to vector<1x512x1xf32>
    %reduce_sum3A_57 = arith.constant dense<0.000000e+00> : vector<1xf32>
    %reduce_sum3A_58 = vector.multi_reduction <add>, %reduce_sum3A, %reduce_sum3A_57 [1, 2] : vector<1x512x1xf32> to vector<1xf32>
    %reduce_sum3A_59 = vector.shape_cast %reduce_sum3A_58 : vector<1xf32> to vector<1x1x1xf32>
    %reduce_sum3A_60 = vector.extract %reduce_sum3A_59[0, 0, 0] : f32 from vector<1x1x1xf32>
    %eq3A_61 = vector.broadcast %broadcast_in_dim3A_53 : vector<512x1xf32> to vector<512x1024xf32>
    %eq3A_62 = arith.cmpf oeq, %convert_element_type3A, %eq3A_61 : vector<512x1024xf32>
    %convert_element_type3A_63 = arith.extui %eq3A_62 : vector<512x1024xi1> to vector<512x1024xi32>
    %convert_element_type3A_64 = arith.sitofp %convert_element_type3A_63 : vector<512x1024xi32> to vector<512x1024xf32>
    %reduce_sum3A_65 = arith.constant dense<0.000000e+00> : vector<1024xf32>
    %reduce_sum3A_66 = vector.multi_reduction <add>, %convert_element_type3A_64, %reduce_sum3A_65 [0] : vector<512x1024xf32> to vector<1024xf32>
    %broadcast_in_dim3A_67 = vector.shape_cast %reduce_sum3A_66 : vector<1024xf32> to vector<1x1024xf32>
    %eq3A_68 = arith.constant 0 : i32
    %eq3A_69 = arith.cmpi eq, %arg0, %eq3A_68 : i32
    %convert_element_type3A_70 = arith.extui %eq3A_69 : i1 to i32
    %cond3A = arith.constant 0 : i32
    %cond3A_71 = arith.cmpi ne, %convert_element_type3A_70, %cond3A : i32
    scf.if %cond3A_71 {
      %broadcast_in_dim3A_91 = arith.constant 0.000000e+00 : f32
      %broadcast_in_dim3A_92 = vector.broadcast %broadcast_in_dim3A_91 : f32 to vector<1x1xf32>
      %swap3A_93 = arith.constant 0 : index
      %swap3A_94 = arith.constant 0 : index
      %swap3A_95 = vector.load %arg9[%swap3A_93, %swap3A_94] : memref<1x1xf32, #tpu.memory_space<vmem>>, vector<1x1xf32>
      tpu.vector_store %arg9[%swap3A_93, %swap3A_94], %broadcast_in_dim3A_92 {strides = array<i32>} : memref<1x1xf32, #tpu.memory_space<vmem>>, vector<1x1xf32>,
      %broadcast_in_dim3A_96 = arith.constant 0.000000e+00 : f32
      %broadcast_in_dim3A_97 = vector.broadcast %broadcast_in_dim3A_96 : f32 to vector<1x1024xf32>
      %swap3A_98 = arith.constant 0 : index
      %swap3A_99 = arith.constant 0 : index
      %swap3A_100 = vector.load %arg8[%swap3A_98, %swap3A_99] : memref<1x1024xf32, #tpu.memory_space<vmem>>, vector<1x1024xf32>
      tpu.vector_store %arg8[%swap3A_98, %swap3A_99], %broadcast_in_dim3A_97 {strides = array<i32>} : memref<1x1024xf32, #tpu.memory_space<vmem>>, vector<1x1024xf32>,
    } else {
    }
    %get3A_72 = arith.constant 0 : index
    %get3A_73 = arith.constant 0 : index
    %get3A_74 = vector.load %arg9[%get3A_72, %get3A_73] : memref<1x1xf32, #tpu.memory_space<vmem>>, vector<1x1xf32>
    %reshape3A = vector.broadcast %reduce_sum3A_60 : f32 to vector<1x1xf32>
    %add3A_75 = arith.addf %get3A_74, %reshape3A : vector<1x1xf32>
    %swap3A_76 = arith.constant 0 : index
    %swap3A_77 = arith.constant 0 : index
    %swap3A_78 = vector.load %arg9[%swap3A_76, %swap3A_77] : memref<1x1xf32, #tpu.memory_space<vmem>>, vector<1x1xf32>
    tpu.vector_store %arg9[%swap3A_76, %swap3A_77], %add3A_75 {strides = array<i32>} : memref<1x1xf32, #tpu.memory_space<vmem>>, vector<1x1xf32>,
    %get3A_79 = arith.constant 0 : index
    %get3A_80 = arith.constant 0 : index
    %get3A_81 = vector.load %arg8[%get3A_79, %get3A_80] : memref<1x1024xf32, #tpu.memory_space<vmem>>, vector<1x1024xf32>
    %add3A_82 = arith.addf %get3A_81, %broadcast_in_dim3A_67 : vector<1x1024xf32>
    %swap3A_83 = arith.constant 0 : index
    %swap3A_84 = arith.constant 0 : index
    %swap3A_85 = vector.load %arg8[%swap3A_83, %swap3A_84] : memref<1x1024xf32, #tpu.memory_space<vmem>>, vector<1x1024xf32>
    tpu.vector_store %arg8[%swap3A_83, %swap3A_84], %add3A_82 {strides = array<i32>} : memref<1x1024xf32, #tpu.memory_space<vmem>>, vector<1x1024xf32>,
    %eq3A_86 = arith.constant 48 : i32
    %eq3A_87 = arith.cmpi eq, %arg0, %eq3A_86 : i32
    %convert_element_type3A_88 = arith.extui %eq3A_87 : i1 to i32
    %cond3A_89 = arith.constant 0 : i32
    %cond3A_90 = arith.cmpi ne, %convert_element_type3A_88, %cond3A_89 : i32
    scf.if %cond3A_90 {
      %mul3A_91 = arith.constant 2.508800e+04 : f32
      %mul3A_92 = arith.constant 1.280000e+02 : f32
      %mul3A_93 = arith.mulf %mul3A_91, %mul3A_92 : f32
      %get3A_94 = arith.constant 0 : index
      %get3A_95 = arith.constant 0 : index
      %get3A_96 = vector.load %arg9[%get3A_94, %get3A_95] : memref<1x1xf32, #tpu.memory_space<vmem>>, vector<1x1xf32>
      %mul3A_97 = arith.constant 2.500000e-01 : f32
      %mul3A_98 = vector.broadcast %mul3A_97 : f32 to vector<1x1xf32>
      %mul3A_99 = arith.mulf %mul3A_98, %get3A_96 : vector<1x1xf32>
      %div3A = vector.broadcast %mul3A_93 : f32 to vector<1x1xf32>
      %div3A_100 = arith.divf %mul3A_99, %div3A : vector<1x1xf32>
      %swap3A_101 = arith.constant 0 : index
      %swap3A_102 = arith.constant 0 : index
      %swap3A_103 = vector.load %arg6[%swap3A_101, %swap3A_102] : memref<1x1xf32, #tpu.memory_space<vmem>>, vector<1x1xf32>
      tpu.vector_store %arg6[%swap3A_101, %swap3A_102], %div3A_100 {strides = array<i32>} : memref<1x1xf32, #tpu.memory_space<vmem>>, vector<1x1xf32>,
      %get3A_104 = arith.constant 0 : index
      %get3A_105 = arith.constant 0 : index
      %get3A_106 = vector.load %arg8[%get3A_104, %get3A_105] : memref<1x1024xf32, #tpu.memory_space<vmem>>, vector<1x1024xf32>
      %div3A_107 = arith.constant 2.508800e+04 : f32
      %div3A_108 = vector.broadcast %div3A_107 : f32 to vector<1x1024xf32>
      %div3A_109 = arith.divf %get3A_106, %div3A_108 : vector<1x1024xf32>
      %add3A_110 = arith.constant 1.000000e-10 : f32
      %add3A_111 = vector.broadcast %add3A_110 : f32 to vector<1x1024xf32>
      %add3A_112 = arith.addf %div3A_109, %add3A_111 : vector<1x1024xf32>
      %log3A = math.log %add3A_112 : vector<1x1024xf32>
      %mul3A_113 = arith.mulf %div3A_109, %log3A : vector<1x1024xf32>
      %reduce_sum3A_114 = vector.shape_cast %mul3A_113 : vector<1x1024xf32> to vector<1x1x1024xf32>
      %reduce_sum3A_115 = arith.constant dense<0.000000e+00> : vector<1xf32>
      %reduce_sum3A_116 = vector.multi_reduction <add>, %reduce_sum3A_114, %reduce_sum3A_115 [1, 2] : vector<1x1x1024xf32> to vector<1xf32>
      %reduce_sum3A_117 = vector.shape_cast %reduce_sum3A_116 : vector<1xf32> to vector<1x1x1xf32>
      %reduce_sum3A_118 = vector.extract %reduce_sum3A_117[0, 0, 0] : f32 from vector<1x1x1xf32>
      %neg3A = arith.constant 0.000000e+00 : f32
      %neg3A_119 = arith.subf %neg3A, %reduce_sum3A_118 : f32
      %exp3A = math.exp %neg3A_119 : f32
      %reshape3A_120 = vector.broadcast %exp3A : f32 to vector<1x1xf32>
      %swap3A_121 = arith.constant 0 : index
      %swap3A_122 = arith.constant 0 : index
      %swap3A_123 = vector.load %arg7[%swap3A_121, %swap3A_122] : memref<1x1xf32, #tpu.memory_space<vmem>>, vector<1x1xf32>
      tpu.vector_store %arg7[%swap3A_121, %swap3A_122], %reshape3A_120 {strides = array<i32>} : memref<1x1xf32, #tpu.memory_space<vmem>>, vector<1x1xf32>,
    } else {
    }
    return
  }
  func.func @transform_0(%arg0: i32) -> (i32, i32) {
    %c0_i32 = arith.constant 0 : i32
    %c0_i32_0 = arith.constant 0 : i32
    return %arg0, %c0_i32 : i32, i32
  }
  func.func @transform_1(%arg0: i32) -> (i32, i32) {
    %c0_i32 = arith.constant 0 : i32
    %c0_i32_0 = arith.constant 0 : i32
    %c0_i32_1 = arith.constant 0 : i32
    return %c0_i32, %c0_i32_0 : i32, i32
  }
  func.func @transform_2(%arg0: i32) -> (i32, i32) {
    %c0_i32 = arith.constant 0 : i32
    %c0_i32_0 = arith.constant 0 : i32
    return %arg0, %c0_i32 : i32, i32
  }
  func.func @transform_3(%arg0: i32) -> (i32, i32) {
    %c0_i32 = arith.constant 0 : i32
    %c0_i32_0 = arith.constant 0 : i32
    %c0_i32_1 = arith.constant 0 : i32
    return %c0_i32, %c0_i32_0 : i32, i32
  }
  func.func @transform_4(%arg0: i32) -> (i32, i32) {
    %c0_i32 = arith.constant 0 : i32
    %c0_i32_0 = arith.constant 0 : i32
    return %arg0, %c0_i32 : i32, i32
  }
  func.func @transform_5(%arg0: i32) -> (i32, i32) {
    %c0_i32 = arith.constant 0 : i32
    %c0_i32_0 = arith.constant 0 : i32
    %c0_i32_1 = arith.constant 0 : i32
    return %c0_i32, %c0_i32_0 : i32, i32
  }
  func.func @transform_6(%arg0: i32) -> (i32, i32) {
    %c0_i32 = arith.constant 0 : i32
    %c0_i32_0 = arith.constant 0 : i32
    %c0_i32_1 = arith.constant 0 : i32
    return %c0_i32, %c0_i32_0 : i32, i32
  }
}

</mosaic_0001>

<sc_bundles>
// kernel: kernel.4.cloned.1.call-start
scs
__scs_entry_jumppad:
0x0: {  	(pc) =	sbr.rel $0x88, $3  }
0x1: {  	(tag) =	ssettag $0x0;
	lr =	simm.s32 $0x1  }
0x2: {  	[smem:$0x3F89] =	sst lr;
	_ =	strace $0xD0000000  }
0x3: {  	_ = 	snop  }
0x4: {  	_ = 	snop  }
0x5: {  	_ = 	snop  }
0x6: {  	_ = 	snop  }
0x7: {  	_ = 	snop  }
__scs_overlays_trampoline_lowered:
0x8: {  	[smem:$0x3F98] =	sst s0  }
0x9: {  	[smem:$0x3F99] =	sst s1  }
0xa: {  	[smem:$0x3F9A] =	sst s2  }
0xb: {  	[smem:$0x3F9B] =	sst s3  }
0xc: {  	[smem:$0x3F9C] =	sst s4  }
0xd: {  	[smem:$0x3F9D] =	sst s5  }
0xe: {  	[smem:$0x3F9E] =	sst s6  }
0xf: {  	[smem:$0x3F9F] =	sst s7  }
0x10: {  	[smem:$0x3FA0] =	sst s8  }
0x11: {  	[smem:$0x3FA1] =	sst s9;
	s0 =	simm.s32 @!p0 $0x0  }
0x12: {  	s1 =	sld [smem:$0x3F87];
	s0 =	simm.s32 @p0 $0x1  }
0x13: {  	[smem:$0x3FA2] =	sst s0;
	s0 =	simm.s32 @!p1 $0x0  }
0x14: {  	s2 =	sld [smem:$0x3F86];
	s0 =	simm.s32 @p1 $0x1  }
0x15: {  	[smem:$0x3FA3] =	sst s0;
	s0 =	simm.s32 @!p2 $0x0  }
0x16: {  	s3 =	sld [smem:$0x3FDB];
	s0 =	simm.s32 @p2 $0x1  }
0x17: {  	s4 =	simm.s32 $0x1BF5;
	[smem:$0x3FA5] =	sst s0  }
0x18: {  	s0 =	sld [smem:$0x3F88];
	_ =	swait.ge [sflag:s4], $0x0  }
0x19: {  	s7 =	sld [smem:$0x3F89]  }
0x1a: {  	s8 =	sadd.s32 $0xFFFFE003, lr  }
0x1b: {  	s9 =	sadd.s32 $0xFFFFFEF7, lr;
	s5 =	simm.s32 $0xFFFFFFFF;
	p2 =	slt.u32 s8, $0xFFFFF086  }
0x1c: {  	p1 =	slt.u32 s9, $0xF7A;
	s5 =	simm.s32 @!p2 $0x0  }
0x1d: {  	s5 =	simm.s32 @p1 $0x1;
	p0 =	seq.s32 s7, s2  }
0x1e: {  	s7 =	smul.u32 @!p0 $0xF7A, s2;
	p2 =	seq.s32 @!p0 s5, $0x0  }
0x1f: {  	s9 =	smul.u32 $0xF7A, s1;
	s8 =	simm.s32 @!p0 $0x1BF5;
	p2 =	por !p2, p0  }
0x20: {  	[sflag:s8] =	ssyncset.s32 @!p0 $0xFFFFF086;
	s6 =	sadd.s32 @!p0 s3, s7;
	s7 =	simm.s32 @!p0 $0x108  }
0x21: {  	s3 =	sadd.s32 s3, s9;
	s6 =	sadd.s32 @!p0 $0x88, s6;
	s7 =	simm.s32 @p2 $0x1082  }
0x22: {  	[simem:s7], [sflag:s8] =	dma.local @!p0 [hbm:s6], $0xF7A  }
0x23: {  	s9 =	sor.u32 $0xD0000000, s2;
	s6 =	simm.s32 $0x108;
	_ =	swait.ge @!p0 [sflag:s8], $0x0  }
0x24: {  	s3 =	sadd.s32 $0x88, s3;
	s6 =	simm.s32 @!p1 $0x1082;
	[sflag:s4] =	ssyncset.s32 $0xFFFFF086  }
0x25: {  	[simem:s6], [sflag:s4] =	dma.local [hbm:s3], $0xF7A  }
0x26: {  	[smem:$0x3F89] =	sst s1;
	(tag) =	ssettag s2;
	_ =	strace s9  }
0x27: {  	s1 =	sld [smem:$0x3F99]  }
0x28: {  	s2 =	sld [smem:$0x3F9A]  }
0x29: {  	s4 =	sld [smem:$0x3F9C]  }
0x2a: {  	p0 =	seq.s32 s5, $0x0;
	s5 =	sld [smem:$0x3F9D]  }
0x2b: {  	s6 =	sld [smem:$0x3F9E]  }
0x2c: {  	s7 =	sld [smem:$0x3F9F]  }
0x2d: {  	s3 =	simm.s32 $0x108;
	s8 =	sld [smem:$0x3FA0]  }
0x2e: {  	s3 =	simm.s32 @!p0 $0x1082;
	s9 =	sld [smem:$0x3FA1]  }
0x2f: {  	lr =	sadd.s32 s0, s3;
	s0 =	sld [smem:$0x3F98]  }
0x30: {  	s3 =	sld [smem:$0x3F9B]  }
0x31: {  	[smem:$0x3FA4] =	sst s10  }
0x32: {  	s10 =	sld [smem:$0x3FA2];
	_ =	sdelay $0x3  }
0x33: {  	p0 =	seq.s32 s10, $0x1;
	s10 =	sld [smem:$0x3FA4];
	_ =	sdelay $0x3  }
0x34: {  	[smem:$0x3FA4] =	sst s10  }
0x35: {  	s10 =	sld [smem:$0x3FA3];
	_ =	sdelay $0x3  }
0x36: {  	p1 =	seq.s32 s10, $0x1;
	s10 =	sld [smem:$0x3FA4];
	_ =	sdelay $0x3  }
0x37: {  	[smem:$0x3FA4] =	sst s10  }
0x38: {  	s10 =	sld [smem:$0x3FA5]  }
0x39: {  	_ = 	snop;
	(pc) =	sbr.ind lr, $3  }
0x3a: {  	_ = 	snop  }
0x3b: {  	_ = 	snop  }
0x3c: {  	p2 =	seq.s32 s10, $0x1;
	s10 =	sld [smem:$0x3FA4]  }
0x3d: {  	_ =	shalt  }
0x3e: {  	_ =	shalt  }
0x3f: {  	_ =	shalt  }
0x40: {  	_ =	shalt  }
0x41: {  	_ =	shalt  }
0x42: {  	_ =	shalt  }
0x43: {  	_ =	shalt  }
0x44: {  	_ =	shalt  }
0x45: {  	_ =	shalt  }
0x46: {  	_ =	shalt  }
0x47: {  	_ =	shalt  }
0x48: {  	_ =	shalt  }
0x49: {  	_ =	shalt  }
0x4a: {  	_ =	shalt  }
0x4b: {  	_ =	shalt  }
0x4c: {  	_ =	shalt  }
0x4d: {  	_ =	shalt  }
0x4e: {  	_ =	shalt  }
0x4f: {  	_ =	shalt  }
0x50: {  	_ =	shalt  }
0x51: {  	_ =	shalt  }
0x52: {  	_ =	shalt  }
0x53: {  	_ =	shalt  }
0x54: {  	_ =	shalt  }
0x55: {  	_ =	shalt  }
0x56: {  	_ =	shalt  }
0x57: {  	_ =	shalt  }
0x58: {  	_ =	shalt  }
0x59: {  	_ =	shalt  }
0x5a: {  	_ =	shalt  }
0x5b: {  	_ =	shalt  }
0x5c: {  	_ =	shalt  }
0x5d: {  	_ =	shalt  }
0x5e: {  	_ =	shalt  }
0x5f: {  	_ =	shalt  }
0x60: {  	_ =	shalt  }
0x61: {  	_ =	shalt  }
0x62: {  	_ =	shalt  }
0x63: {  	_ =	shalt  }
0x64: {  	_ =	shalt  }
0x65: {  	_ =	shalt  }
0x66: {  	_ =	shalt  }
0x67: {  	_ =	shalt  }
0x68: {  	_ =	shalt  }
0x69: {  	_ =	shalt  }
0x6a: {  	_ =	shalt  }
0x6b: {  	_ =	shalt  }
0x6c: {  	_ =	shalt  }
0x6d: {  	_ =	shalt  }
0x6e: {  	_ =	shalt  }
0x6f: {  	_ =	shalt  }
0x70: {  	_ =	shalt  }
0x71: {  	_ =	shalt  }
0x72: {  	_ =	shalt  }
0x73: {  	_ =	shalt  }
0x74: {  	_ =	shalt  }
0x75: {  	_ =	shalt  }
0x76: {  	_ =	shalt  }
0x77: {  	_ =	shalt  }
0x78: {  	_ =	shalt  }
0x79: {  	_ =	shalt  }
0x7a: {  	_ =	shalt  }
0x7b: {  	_ =	shalt  }
0x7c: {  	_ =	shalt  }
0x7d: {  	_ =	shalt  }
0x7e: {  	_ =	shalt  }
0x7f: {  	_ =	shalt  }
0x80: {  	_ =	shalt  }
0x81: {  	_ =	shalt  }
0x82: {  	_ =	shalt  }
0x83: {  	_ =	shalt  }
0x84: {  	_ =	shalt  }
0x85: {  	_ =	shalt  }
0x86: {  	_ =	shalt  }
0x87: {  	_ =	shalt  }
.Lfunc_end0:
.L_simem_size_0:
called_computation.4_lowered:
.L_overlay_start_0:
0x88: {  	s2 =	sld [smem:$0x3FD9]  }
0x89: {  	s3 =	sld [smem:$0x3FFE];
	_ =	sdelay $0x1  }
0x8a: {  	s1 =	srdreg.scid  }
0x8b: {  	s0 =	sand.u32 $0x1, s1  }
0x8c: {  	s14 =	sshll.u32 s0, $0xA;
	s2 =	sadd.s32 s3, s2  }
0x8d: {  	s2 =	sadd.s32 s2, s14  }
0x8e: {  	[smem:$0x3FB0] =	sst s2  }
0x8f: {  	_ = 	snop  }
0x90: {  	s2 =	sld [smem:$0x3FD0];
	_ =	sdelay $0x2  }
0x91: {  	s4 =	simm.s32 $0xA;
	s5 =	simm.s32 $0x10;
	s15 =	sld [smem:$0x3FBE]  }
0x92: {  	[smem:s5], [sflag:s4] =	dma.local [hbm:s2], $0x1  }
0x93: {  	_ =	swait.eq [sflag:s4], $0x1  }
0x94: {  	[sflag:s4] =	ssyncset.done $0x0  }
0x95: {  	[sflag:s4] =	ssyncadd.s32 $0xFFFFFFFF  }
0x96: {  	s16 =	sld [smem:$0x11];
	(tm) =	ssettm $0x1  }
0x97: {  	s17 =	sld [smem:$0x3FFB];
	_ =	sdelay $0x3  }
0x98: {  	_ =	strace s17  }
0x99: {  	s4 =	sld [smem:$0x3FFC];
	_ =	sdelay $0x3  }
0x9a: {  	_ =	strace s4  }
0x9b: {  	s4 =	sld [smem:$0x3FFD];
	_ =	sdelay $0x3  }
0x9c: {  	_ =	strace s4  }
0x9d: {  	_ =	strace $0x8FFFFFFF  }
0x9e: {  	s18 =	sld [smem:$0x3FDB];
	_ =	sdelay $0x1  }
0x9f: {  	s19 =	simm.s32 $_scs_section_size  }
0xa0: {  	s6 =	simm.s32 $_size__tile_overlayer_lowered;
	s7 =	simm.s32 $_tile_overlayer_lowered  }
0xa1: {  	s22 =	simm.s32 $0x1BFF;
	s21 =	sshll.u32 s7, $0x1;
	s4 =	sadd.s32 s19, s18  }
0xa2: {  	s8 =	simm.s32 $0x0;
	s20 =	sshll.u32 s6, $0x1;
	s6 =	sadd.s32 s21, s4  }
0xa3: {  	[timem:s8], [sflag:s22] =	dma.local [hbm:s6], s20  }
0xa4: {  	_ =	swait.ge [sflag:s22], s20  }
0xa5: {  	s5 =	ssub.s32 $0x0, s20;
	[sflag:s22] =	ssyncset.done $0x0  }
0xa6: {  	[sflag:s22] =	ssyncadd.s32 s5;
	_ =	sdelay $0x1  }
0xa7: {  	s23 =	simm.s32 $0x1B8B  }
0xa8: {  	_ =	swait.ge [sflag:s23], $0x1  }
0xa9: {  	[sflag:s23] =	ssyncset.done $0x0  }
0xaa: {  	s25 =	simm.s32 $0x1B8E;
	s24 =	sld [smem:$0x3FFE];
	[sflag:s23] =	ssyncadd.s32 $0xFFFFFFFF  }
0xab: {  	s26 =	simm.s32 $execute0_lowered;
	[smem:$0x3FD2] =	sst s25  }
0xac: {  	s6 =	sshll.u32 s26, $0x1;
	_ =	strace $0x80000046;
	[dreg:$0x1] =	wrdreg $0xFFFFFFFF  }
0xad: {  	s28 =	simm.s32 $_size_execute0_lowered;
	s4 =	sadd.s32 s4, s6;
	[dreg:$0x0] =	wrdreg $0x0  }
0xae: {  	s6 =	sshll.u32 s28, $0x1;
	[dreg:$0x2] =	wrdreg s4  }
0xaf: {  	[dreg:$0x3] =	wrdreg s6  }
0xb0: {  	[dreg:$0x4] =	wrdreg $0xC0  }
0xb1: {  	_ =	task [dreg:s8], $0x5FFFF  }
0xb2: {  	[dreg:$0x1] =	wrdreg $0xFFFFFFFF  }
0xb3: {  	[dreg:$0x0] =	wrdreg $0x60  }
0xb4: {  	[dreg:$0x2] =	wrdreg s15  }
0xb5: {  	[dreg:$0x3] =	wrdreg s16  }
0xb6: {  	[dreg:$0x4] =	wrdreg s24  }
0xb7: {  	[dreg:$0x5] =	wrdreg $0x18C000  }
0xb8: {  	[dreg:$0x6] =	wrdreg $0x9  }
0xb9: {  	_ =	task.clear_ibuf [dreg:s8], $0x7FFFF;
	_ =	strace $0x90000046  }
0xba: {  	s29 =	simm.s32 $0x9;
	_ =	strace $0x80000048  }
0xbb: {  	_ =	swait.ge [sflag:s29], $0x1  }
0xbc: {  	[sflag:s29] =	ssyncadd.s32 $0xFFFFFFFF  }
0xbd: {  	_ =	strace $0x90000048  }
0xbe: {  	_ =	sfence  }
0xbf: {  	s30 =	sld [smem:$0x0];
	_ =	sdelay $0x2  }
0xc0: {  	s31 =	sshll.u32 s1, $0xD;
	s1 =	sshrl.u32 s1, $0x2  }
0xc1: {  	s3 =	sand.u32 $0x4000, s31;
	s1 =	sadd.s32 s1, s30  }
0xc2: {  	s0 =	sor.u32 s3, s0;
	s1 =	sshll.u32 s1, $0x11  }
0xc3: {  	s0 =	sor.u32 s1, s0  }
0xc4: {  	s0 =	sadd.s32 $0x8F2B, s0  }
0xc5: {  	[sflag:s0] =	ssyncadd.remote.s32 $0x1  }
0xc6: {  	_ =	sfence.sel $0xFFFF  }
0xc7: {  	[dreg:$0x0] =	wrdreg $0xFFFFFFFF;
	(pc) =	sbr.abs _section_cstart, $3  }
0xc8: {  	[dreg:$0x1] =	wrdreg $0xFFFFFFFF  }
0xc9: {  	_ =	task.clear_ibuf [dreg:s8], $0x2FFFF;
	_ =	strace $0x9FFFFFFF  }
0xca: {  	(tm) =	ssettm $0x7FFFFFFF  }
0xcb: {  	_ =	shalt  }
tec
execute0_lowered:
.L_overlay_start_1:
0x0: {  	(tag) =	ssettag $0x1  }
0x1: {  	s6 =	rddreg [dreg:$0x0]  }
0x2: {  	s2 =	rddreg [dreg:$0x1]  }
0x3: {  	s3 =	rddreg [dreg:$0x2]  }
0x4: {  	s0 =	srdreg.scid;
	s4 =	stileid.u32  }
0x5: {  	s5 =	rddreg [dreg:$0x3];
	s1 =	simm.s32 $0x0;
	s11 =	simm.s32 $0x3C00  }
0x6: {  	s12 =	simm.s32 $0x100;
	s7 =	sand.u32 $0x1, s0;
	s8 =	sshll.u32 s4, $0x1  }
0x7: {  	s13 =	simm.s32 $0x7400;
	s8 =	sor.u32 s7, s8;
	s7 =	ssub.s32 $0x2, s7  }
0x8: {  	s14 =	simm.s32 $0x180;
	s15 =	simm.s32 $0xAC00;
	s10 =	sshrl.u32 s7, $0x1  }
0x9: {  	s16 =	simm.s32 $0x200;
	s17 =	simm.s32 $0xE400;
	s7 =	ssub.s32 s7, s10  }
0xa: {  	s18 =	simm.s32 $0x280;
	s20 =	simm.s32 $0x11C00;
	s7 =	smax.u32 s7, $0x1  }
0xb: {  	s21 =	simm.s32 $0x300;
	s22 =	simm.s32 $0x15400;
	s25 =	sadd.s32 $0xFFFFFFFF, s7  }
0xc: {  	p1 =	por $0x0, $0x0;
	s0 =	rddreg [dreg:$0x4];
	p2 =	sne.s32 s25, $0x0  }
.Ltmp0:
0xd: {  	[smem:$0x7FF] =	sst s1;
	p0 =	sne.s32 s4, $0x0;
	(pc) =	sbr.rel @!p2 .LBB2_3-.Ltmp0, $4  }
0xe: {  	s4 =	simm.s32 $0x400;
	_ =	strace $0x80000047;
	s9 =	smul.u32 $0x3100, s8  }
0xf: {  	s19 =	sshrl.u32 @!p0 s5, $0x3;
	s8 =	sshll.u32 s8, $0x7;
	s10 =	simm.s32 $0x80  }
0x10: {  	s3 =	sadd.s32 s9, s3;
	s9 =	sadd.s32 s2, s8;
	s8 =	simm.s32 $0x70  }
0x11: {  	s2 =	sadd.s32 $0x21D400, s3;
	s3 =	simm.s32 $0x2;
	s7 =	simm.s32 $0x1  }
0x12: {  	s23 =	simm.s32 @!p0 $0x1C02;
	s24 =	simm.s32 @!p0 $0x2  }
0x13: {  	[spmem:s19], [sflag:s23] =	dma.local @!p0 [hbm:s6], $0x4000  }
0x14: {  	_ =	swait.ge @!p0 [sflag:s24], $0x4000  }
0x15: {  	[sflag:s24] =	ssyncset.done @!p0 $0x0  }
0x16: {  	[sflag:s24] =	ssyncadd.s32 @!p0 $0xFFFFC000  }
0x17: {  	[bflag:$0x0] =	sbarrier.arrive $0xFFFF  }
0x18: {  	[tilespmem:s1], [sflag:$0x2] =	stream.linear.gather [hbm4b:s9+s1], $0x380, $0x38;
	[tilespmem:$0x1AC00] =	vst v63  }
0x19: {  	_ =	swait.ge [sflag:s3], $0x380  }
0x1a: {  	[sflag:s3] =	ssyncset.done $0x0  }
0x1b: {  	[sflag:s3] =	ssyncadd.s32 $0xFFFFFC80  }
0x1c: {  	[tilespmem:s4], [sflag:$0x1] =	stream.indirect.gather [spmem:s5], $0x80, s1, s8, $0xb8;
	[tilespmem:$0x1AC00] =	vst v63  }
0x1d: {  	_ = 	snop  }
0x1e: {  	[tilespmem:s11], [sflag:$0x1] =	stream.indirect.gather [spmem:s5], $0x80, s10, s8, $0xb8;
	[tilespmem:$0x1AC00] =	vst v63  }
0x1f: {  	_ = 	snop  }
0x20: {  	[tilespmem:s13], [sflag:$0x1] =	stream.indirect.gather [spmem:s5], $0x80, s12, s8, $0xb8;
	[tilespmem:$0x1AC00] =	vst v63  }
0x21: {  	_ = 	snop  }
0x22: {  	[tilespmem:s15], [sflag:$0x1] =	stream.indirect.gather [spmem:s5], $0x80, s14, s8, $0xb8;
	[tilespmem:$0x1AC00] =	vst v63  }
0x23: {  	_ = 	snop  }
0x24: {  	[tilespmem:s17], [sflag:$0x1] =	stream.indirect.gather [spmem:s5], $0x80, s16, s8, $0xb8;
	[tilespmem:$0x1AC00] =	vst v63  }
0x25: {  	_ = 	snop  }
0x26: {  	[tilespmem:s20], [sflag:$0x1] =	stream.indirect.gather [spmem:s5], $0x80, s18, s8, $0xb8;
	[tilespmem:$0x1AC00] =	vst v63  }
0x27: {  	_ = 	snop  }
0x28: {  	[tilespmem:s22], [sflag:$0x1] =	stream.indirect.gather [spmem:s5], $0x80, s21, s8, $0xb8;
	[tilespmem:$0x1AC00] =	vst v63  }
0x29: {  	_ =	swait.ge [sflag:s7], $0x3800  }
0x2a: {  	[sflag:s7] =	ssyncset.done $0x0  }
0x2b: {  	[sflag:s7] =	ssyncadd.s32 $0xFFFFC800  }
0x2c: {  	_ =	swait.ge [sflag:s7], $0x3800  }
0x2d: {  	[sflag:s7] =	ssyncset.done $0x0  }
0x2e: {  	[sflag:s7] =	ssyncadd.s32 $0xFFFFC800  }
0x2f: {  	_ =	swait.ge [sflag:s7], $0x3800  }
0x30: {  	[sflag:s7] =	ssyncset.done $0x0  }
0x31: {  	[sflag:s7] =	ssyncadd.s32 $0xFFFFC800  }
0x32: {  	_ =	swait.ge [sflag:s7], $0x3800  }
0x33: {  	[sflag:s7] =	ssyncset.done $0x0  }
0x34: {  	[sflag:s7] =	ssyncadd.s32 $0xFFFFC800  }
0x35: {  	_ =	swait.ge [sflag:s7], $0x3800  }
0x36: {  	[sflag:s7] =	ssyncset.done $0x0  }
0x37: {  	[sflag:s7] =	ssyncadd.s32 $0xFFFFC800  }
0x38: {  	_ =	swait.ge [sflag:s7], $0x3800  }
0x39: {  	[sflag:s7] =	ssyncset.done $0x0  }
0x3a: {  	s25 =	sadd.s32 $0xFFFFFFFF, s25;
	[sflag:s7] =	ssyncadd.s32 $0xFFFFC800  }
0x3b: {  	p2 =	sne.s32 s25, $0x0;
	_ =	swait.ge [sflag:s7], $0x3800  }
.Ltmp1:
0x3c: {  	[sflag:s7] =	ssyncset.done $0x0;
	(pc) =	sbr.rel @!p2 .LBB2_3-.Ltmp1, $4  }
0x3d: {  	[sflag:s7] =	ssyncadd.s32 $0xFFFFC800  }
0x3e: {  	[hbm4b:s2+s1] =	stream.linear.scatter [tilespmem:s4], [sflag:$0x2], $0x18800, $0x38;
	[tilespmem:$0x1AC00] =	vst v63  }
0x3f: {  	_ =	swait.ge [sflag:s3], $0x18800  }
0x40: {  	p1 =	por $0x1, $0x1;
	[sflag:s3] =	ssyncset.done $0x0  }
.LBB2_2:
0x41: {  	[sflag:s3] =	ssyncadd.s32 $0xFFFE7800  }
0x42: {  	[spmem:s19], [sflag:s23] =	dma.local @!p0 [hbm:s6], $0x4000  }
0x43: {  	s25 =	sadd.s32 $0xFFFFFFFF, s25;
	_ =	swait.ge @!p0 [sflag:s24], $0x4000  }
0x44: {  	p2 =	sne.s32 s25, $0x0;
	[sflag:s24] =	ssyncset.done @!p0 $0x0  }
0x45: {  	[sflag:s24] =	ssyncadd.s32 @!p0 $0xFFFFC000  }
0x46: {  	[bflag:$0x0] =	sbarrier.arrive $0xFFFF  }
0x47: {  	[tilespmem:s1], [sflag:$0x2] =	stream.linear.gather [hbm4b:s9+s1], $0x380, $0x38;
	[tilespmem:$0x1AC00] =	vst v63  }
0x48: {  	_ =	swait.ge [sflag:s3], $0x380  }
0x49: {  	[sflag:s3] =	ssyncset.done $0x0  }
0x4a: {  	[sflag:s3] =	ssyncadd.s32 $0xFFFFFC80  }
0x4b: {  	[tilespmem:s4], [sflag:$0x1] =	stream.indirect.gather [spmem:s5], $0x80, s1, s8, $0xb8;
	[tilespmem:$0x1AC00] =	vst v63  }
0x4c: {  	_ = 	snop  }
0x4d: {  	[tilespmem:s11], [sflag:$0x1] =	stream.indirect.gather [spmem:s5], $0x80, s10, s8, $0xb8;
	[tilespmem:$0x1AC00] =	vst v63  }
0x4e: {  	_ = 	snop  }
0x4f: {  	[tilespmem:s13], [sflag:$0x1] =	stream.indirect.gather [spmem:s5], $0x80, s12, s8, $0xb8;
	[tilespmem:$0x1AC00] =	vst v63  }
0x50: {  	_ = 	snop  }
0x51: {  	[tilespmem:s15], [sflag:$0x1] =	stream.indirect.gather [spmem:s5], $0x80, s14, s8, $0xb8;
	[tilespmem:$0x1AC00] =	vst v63  }
0x52: {  	_ = 	snop  }
0x53: {  	[tilespmem:s17], [sflag:$0x1] =	stream.indirect.gather [spmem:s5], $0x80, s16, s8, $0xb8;
	[tilespmem:$0x1AC00] =	vst v63  }
0x54: {  	_ = 	snop  }
0x55: {  	[tilespmem:s20], [sflag:$0x1] =	stream.indirect.gather [spmem:s5], $0x80, s18, s8, $0xb8;
	[tilespmem:$0x1AC00] =	vst v63  }
0x56: {  	_ = 	snop  }
0x57: {  	[tilespmem:s22], [sflag:$0x1] =	stream.indirect.gather [spmem:s5], $0x80, s21, s8, $0xb8;
	[tilespmem:$0x1AC00] =	vst v63  }
0x58: {  	_ =	swait.ge [sflag:s7], $0x3800  }
0x59: {  	[sflag:s7] =	ssyncset.done $0x0  }
0x5a: {  	[sflag:s7] =	ssyncadd.s32 $0xFFFFC800  }
0x5b: {  	_ =	swait.ge [sflag:s7], $0x3800  }
0x5c: {  	[sflag:s7] =	ssyncset.done $0x0  }
0x5d: {  	[sflag:s7] =	ssyncadd.s32 $0xFFFFC800  }
0x5e: {  	_ =	swait.ge [sflag:s7], $0x3800  }
0x5f: {  	[sflag:s7] =	ssyncset.done $0x0  }
0x60: {  	[sflag:s7] =	ssyncadd.s32 $0xFFFFC800  }
0x61: {  	_ =	swait.ge [sflag:s7], $0x3800  }
0x62: {  	[sflag:s7] =	ssyncset.done $0x0  }
0x63: {  	[sflag:s7] =	ssyncadd.s32 $0xFFFFC800  }
0x64: {  	_ =	swait.ge [sflag:s7], $0x3800  }
0x65: {  	[sflag:s7] =	ssyncset.done $0x0  }
0x66: {  	[sflag:s7] =	ssyncadd.s32 $0xFFFFC800  }
0x67: {  	_ =	swait.ge [sflag:s7], $0x3800  }
0x68: {  	[sflag:s7] =	ssyncset.done $0x0  }
0x69: {  	[sflag:s7] =	ssyncadd.s32 $0xFFFFC800  }
0x6a: {  	_ =	swait.ge [sflag:s7], $0x3800  }
.Ltmp2:
0x6b: {  	[sflag:s7] =	ssyncset.done $0x0;
	(pc) =	sbr.rel @p2 .LBB2_2-.Ltmp2, $4  }
0x6c: {  	[sflag:s7] =	ssyncadd.s32 $0xFFFFC800  }
0x6d: {  	[hbm4b:s2+s1] =	stream.linear.scatter [tilespmem:s4], [sflag:$0x2], $0x18800, $0x38;
	[tilespmem:$0x1AC00] =	vst v63  }
0x6e: {  	_ =	swait.ge [sflag:s3], $0x18800  }
0x6f: {  	[sflag:s3] =	ssyncset.done $0x0  }
.LBB2_3:
0x70: {  	s23 =	simm.s32 @!p0 $0x1C02;
	s24 =	simm.s32 @!p0 $0x2;
	[sflag:s3] =	ssyncadd.s32 @p1 $0xFFFE7800  }
0x71: {  	[spmem:s19], [sflag:s23] =	dma.local @!p0 [hbm:s6], $0x4000  }
0x72: {  	_ =	swait.ge @!p0 [sflag:s24], $0x4000  }
0x73: {  	[sflag:s24] =	ssyncset.done @!p0 $0x0  }
0x74: {  	[sflag:s24] =	ssyncadd.s32 @!p0 $0xFFFFC000  }
0x75: {  	[bflag:$0x0] =	sbarrier.arrive $0xFFFF  }
0x76: {  	[tilespmem:s1], [sflag:$0x2] =	stream.linear.gather [hbm4b:s9+s1], $0x380, $0x38;
	[tilespmem:$0x1AC00] =	vst v63  }
0x77: {  	_ =	swait.ge [sflag:s3], $0x380  }
0x78: {  	[sflag:s3] =	ssyncset.done $0x0  }
0x79: {  	[sflag:s3] =	ssyncadd.s32 $0xFFFFFC80  }
0x7a: {  	[tilespmem:s4], [sflag:$0x1] =	stream.indirect.gather [spmem:s5], $0x80, s1, s8, $0xb8;
	[tilespmem:$0x1AC00] =	vst v63  }
0x7b: {  	_ = 	snop  }
0x7c: {  	[tilespmem:s11], [sflag:$0x1] =	stream.indirect.gather [spmem:s5], $0x80, s10, s8, $0xb8;
	[tilespmem:$0x1AC00] =	vst v63  }
0x7d: {  	_ = 	snop  }
0x7e: {  	[tilespmem:s13], [sflag:$0x1] =	stream.indirect.gather [spmem:s5], $0x80, s12, s8, $0xb8;
	[tilespmem:$0x1AC00] =	vst v63  }
0x7f: {  	_ = 	snop  }
0x80: {  	[tilespmem:s15], [sflag:$0x1] =	stream.indirect.gather [spmem:s5], $0x80, s14, s8, $0xb8;
	[tilespmem:$0x1AC00] =	vst v63  }
0x81: {  	_ = 	snop  }
0x82: {  	[tilespmem:s17], [sflag:$0x1] =	stream.indirect.gather [spmem:s5], $0x80, s16, s8, $0xb8;
	[tilespmem:$0x1AC00] =	vst v63  }
0x83: {  	_ = 	snop  }
0x84: {  	[tilespmem:s20], [sflag:$0x1] =	stream.indirect.gather [spmem:s5], $0x80, s18, s8, $0xb8;
	[tilespmem:$0x1AC00] =	vst v63  }
0x85: {  	_ = 	snop  }
0x86: {  	[tilespmem:s22], [sflag:$0x1] =	stream.indirect.gather [spmem:s5], $0x80, s21, s8, $0xb8;
	[tilespmem:$0x1AC00] =	vst v63  }
0x87: {  	_ =	swait.ge [sflag:s7], $0x3800  }
0x88: {  	[sflag:s7] =	ssyncset.done $0x0  }
0x89: {  	[sflag:s7] =	ssyncadd.s32 $0xFFFFC800  }
0x8a: {  	_ =	swait.ge [sflag:s7], $0x3800  }
0x8b: {  	[sflag:s7] =	ssyncset.done $0x0  }
0x8c: {  	[sflag:s7] =	ssyncadd.s32 $0xFFFFC800  }
0x8d: {  	_ =	swait.ge [sflag:s7], $0x3800  }
0x8e: {  	[sflag:s7] =	ssyncset.done $0x0  }
0x8f: {  	[sflag:s7] =	ssyncadd.s32 $0xFFFFC800  }
0x90: {  	_ =	swait.ge [sflag:s7], $0x3800  }
0x91: {  	[sflag:s7] =	ssyncset.done $0x0  }
0x92: {  	[sflag:s7] =	ssyncadd.s32 $0xFFFFC800  }
0x93: {  	_ =	swait.ge [sflag:s7], $0x3800  }
0x94: {  	[sflag:s7] =	ssyncset.done $0x0  }
0x95: {  	[sflag:s7] =	ssyncadd.s32 $0xFFFFC800  }
0x96: {  	_ =	swait.ge [sflag:s7], $0x3800  }
0x97: {  	[sflag:s7] =	ssyncset.done $0x0  }
0x98: {  	[sflag:s7] =	ssyncadd.s32 $0xFFFFC800  }
0x99: {  	_ =	swait.ge [sflag:s7], $0x3800  }
0x9a: {  	[sflag:s7] =	ssyncset.done $0x0  }
0x9b: {  	[sflag:s7] =	ssyncadd.s32 $0xFFFFC800  }
0x9c: {  	[hbm4b:s2+s1] =	stream.linear.scatter [tilespmem:s4], [sflag:$0x2], $0x18800, $0x38;
	[tilespmem:$0x1AC00] =	vst v63  }
0x9d: {  	_ =	swait.ge [sflag:s3], $0x18800  }
0x9e: {  	[sflag:s3] =	ssyncset.done $0x0  }
0x9f: {  	[sflag:s3] =	ssyncadd.s32 $0xFFFE7800  }
0xa0: {  	_ =	sfence.sel $0x180000  }
0xa1: {  	[bflag:$0x0] =	sbarrier.arrive $0xFFFF  }
0xa2: {  	_ =	strace $0x90000047  }
0xa3: {  	s0 =	sadd.s32 @!p0 $0x100000, s0;
	[bflag:$0x2] =	sbarrier.arrive $0xFFFF  }
0xa4: {  	[sflag:s0] =	ssyncadd.tile.s32 @!p0 $0x1;
	_ =	shalt  }
.Lfunc_end2:
_tile_overlayer_lowered:
.L_overlay_start_2:
0xa5: {  	(tag) =	ssettag $0x2  }
0xa6: {  	s0 =	rddreg [dreg:$0x0];
	s2 =	stileid.u32  }
0xa7: {  	s1 =	rddreg [dreg:$0x1];
	p0 =	sne.s32 s2, $0x0  }
0xa8: {  	s3 =	rddreg [dreg:$0x2];
	[bflag:$0x3] =	sbarrier.arrive $0xFFFF;
	s2 =	simm.s32 @!p0 $0x1C02  }
0xa9: {  	[timem:s3], [sflag:s2] =	dma.local @!p0 [hbm:s0], s1  }
0xaa: {  	s0 =	simm.s32 @!p0 $0x2  }
0xab: {  	_ =	swait.ge @!p0 [sflag:s0], s1  }
0xac: {  	s1 =	ssub.s32 @!p0 $0x0, s1;
	[sflag:s0] =	ssyncset.done @!p0 $0x0  }
0xad: {  	[sflag:s0] =	ssyncadd.s32 @!p0 s1  }
0xae: {  	[bflag:$0x3] =	sbarrier.arrive $0xFFFF  }
0xaf: {  	_ =	shalt  }

// kernel: sparse-core-data-format-call.1.cloned.1.call-start
scs
called_computation.1_lowered:
.L_overlay_start_0:
0x0: {  	s1 =	sld [smem:$0x3FD9]  }
0x1: {  	s2 =	sld [smem:$0x3FFE];
	_ =	sdelay $0x1  }
0x2: {  	s3 =	srdreg.scid  }
0x3: {  	s0 =	sand.u32 $0x1, s3  }
0x4: {  	s17 =	sshll.u32 s0, $0xA;
	s1 =	sadd.s32 s2, s1  }
0x5: {  	s1 =	sadd.s32 s1, s17  }
0x6: {  	[smem:$0x3FB0] =	sst s1  }
0x7: {  	_ = 	snop  }
0x8: {  	(tm) =	ssettm $0x1  }
0x9: {  	s18 =	sld [smem:$0x3FFB];
	_ =	sdelay $0x3  }
0xa: {  	_ =	strace s18  }
0xb: {  	s1 =	sld [smem:$0x3FFC];
	_ =	sdelay $0x3  }
0xc: {  	_ =	strace s1  }
0xd: {  	s1 =	sld [smem:$0x3FFD];
	_ =	sdelay $0x3  }
0xe: {  	_ =	strace s1  }
0xf: {  	_ =	strace $0x8FFFFFFF  }
0x10: {  	s19 =	sld [smem:$0x3FDB];
	_ =	sdelay $0x1  }
0x11: {  	s20 =	simm.s32 $_scs_section_size  }
0x12: {  	s4 =	simm.s32 $_size__tile_overlayer_lowered;
	s5 =	simm.s32 $_tile_overlayer_lowered  }
0x13: {  	s23 =	simm.s32 $0x1BFF;
	s22 =	sshll.u32 s5, $0x1;
	s1 =	sadd.s32 s20, s19  }
0x14: {  	s6 =	simm.s32 $0x0;
	s21 =	sshll.u32 s4, $0x1;
	s4 =	sadd.s32 s22, s1  }
0x15: {  	[timem:s6], [sflag:s23] =	dma.local [hbm:s4], s21  }
0x16: {  	_ =	swait.ge [sflag:s23], s21  }
0x17: {  	s2 =	ssub.s32 $0x0, s21;
	[sflag:s23] =	ssyncset.done $0x0  }
0x18: {  	[sflag:s23] =	ssyncadd.s32 s2;
	_ =	sdelay $0x1  }
0x19: {  	s24 =	simm.s32 $0x1B8B  }
0x1a: {  	_ =	swait.ge [sflag:s24], $0x1  }
0x1b: {  	[sflag:s24] =	ssyncset.done $0x0  }
0x1c: {  	s26 =	simm.s32 $0x1B8E;
	s25 =	sld [smem:$0x3FFE];
	[sflag:s24] =	ssyncadd.s32 $0xFFFFFFFF  }
0x1d: {  	s27 =	simm.s32 $execute0_lowered;
	[smem:$0x3FD2] =	sst s26  }
0x1e: {  	s4 =	sshll.u32 s27, $0x1;
	_ =	strace $0x8000004F;
	[dreg:$0x1] =	wrdreg $0xFFFFFFFF  }
0x1f: {  	s28 =	simm.s32 $_size_execute0_lowered;
	s1 =	sadd.s32 s1, s4;
	[dreg:$0x0] =	wrdreg $0x0  }
0x20: {  	s4 =	sshll.u32 s28, $0x1;
	[dreg:$0x2] =	wrdreg s1  }
0x21: {  	[dreg:$0x3] =	wrdreg s4  }
0x22: {  	[dreg:$0x4] =	wrdreg $0xC0  }
0x23: {  	_ =	task [dreg:s6], $0x5FFFF  }
0x24: {  	[dreg:$0x1] =	wrdreg $0xFFFFFFFF  }
0x25: {  	[dreg:$0x0] =	wrdreg $0x60  }
0x26: {  	[dreg:$0x2] =	wrdreg s25  }
0x27: {  	[dreg:$0x3] =	wrdreg $0x9  }
0x28: {  	_ =	task.clear_ibuf [dreg:s6], $0x4FFFF;
	_ =	strace $0x9000004F  }
0x29: {  	s29 =	simm.s32 $0x9;
	_ =	strace $0x80000051  }
0x2a: {  	_ =	swait.ge [sflag:s29], $0x1  }
0x2b: {  	[sflag:s29] =	ssyncadd.s32 $0xFFFFFFFF  }
0x2c: {  	_ =	strace $0x90000051  }
0x2d: {  	_ =	sfence  }
0x2e: {  	s30 =	sld [smem:$0x0];
	_ =	sdelay $0x2  }
0x2f: {  	s31 =	sshll.u32 s3, $0xD;
	s3 =	sshrl.u32 s3, $0x2  }
0x30: {  	s2 =	sand.u32 $0x4000, s31;
	s1 =	sadd.s32 s3, s30  }
0x31: {  	s0 =	sor.u32 s2, s0;
	s1 =	sshll.u32 s1, $0x11  }
0x32: {  	s0 =	sor.u32 s1, s0  }
0x33: {  	s0 =	sadd.s32 $0x8F2B, s0  }
0x34: {  	[sflag:s0] =	ssyncadd.remote.s32 $0x1  }
0x35: {  	_ =	sfence.sel $0xFFFF  }
0x36: {  	[dreg:$0x0] =	wrdreg $0xFFFFFFFF;
	(pc) =	sbr.abs _section_cstart, $3  }
0x37: {  	[dreg:$0x1] =	wrdreg $0xFFFFFFFF  }
0x38: {  	_ =	task.clear_ibuf [dreg:s6], $0x2FFFF;
	_ =	strace $0x9FFFFFFF  }
0x39: {  	(tm) =	ssettm $0x7FFFFFFF  }
tec
execute0_lowered:
.L_overlay_start_1:
0x0: {  	(tag) =	ssettag $0x1  }
0x1: {  	s0 =	srdreg.scid  }
0x2: {  	s1 =	sshll.u32 s0, $0x4  }
0x3: {  	s0 =	stileid.u32;
	s1 =	sand.u32 $0x10, s1  }
0x4: {  	s5 =	rddreg [dreg:$0x0];
	s7 =	simm.s32 $0x2;
	s2 =	sor.u32 s0, s1  }
0x5: {  	s13 =	simm.s32 $0x0;
	s8 =	simm.s32 $0x400;
	s3 =	ssub.s32 $0x1D, s2  }
0x6: {  	s9 =	simm.s32 $0xCB000;
	s10 =	simm.s32 $0x0;
	p0 =	sgt.s32 s3, $0x0  }
0x7: {  	s14 =	simm.s32 $0x0;
	s11 =	simm.s32 $0x0;
	s3 =	simm.s32 @!p0 $0x0  }
.Ltmp0:
0x8: {  	s12 =	simm.s32 $0x0;
	s4 =	sadd.s32 $0x1F, s3;
	(pc) =	sbr.rel .LBB1_1-.Ltmp0, $4  }
0x9: {  	s1 =	rddreg [dreg:$0x1];
	_ =	strace $0x80000050;
	s4 =	sshrl.u32 s4, $0x5  }
0xa: {  	s6 =	sshll.u32 s2, $0x8;
	s3 =	simm.s32 $0x1;
	s4 =	smul.u32 $0x1C, s4  }
0xb: {  	s6 =	sadd.s32 s6, s5;
	s5 =	sadd.s32 $0x27F400, s5;
	[sflag:s3] =	ssyncpa.u1 $0x0  }
0xc: {  	s6 =	sadd.s32 $0x2000, s6;
	[sflag:s7] =	ssyncpa.u1 $0x0;
	s7 =	sor.u32 $0x1, s4  }
.LBB1_7:
0xd: {  	s15 =	sadd.s32 $0x8, s11  }
0xe: {  	p1 =	sgt.s32 s15, $0xDF  }
0xf: {  	s15 =	simm.s32 @p1 $0x0;
	p1 =	sne.s32 s12, s7  }
.Ltmp1:
0x10: {  	p0 =	slt.u32 s12, $0x2;
	(pc) =	sbr.rel @!p1 .LBB1_8-.Ltmp1, $4  }
0x11: {  	s13 =	simm.s32 @!p0 $0x2  }
0x12: {  	s16 =	sadd.s32 $0x1, s12;
	s14 =	smov.u32 s11;
	_ =	swait.ge @!p0 [sflag:s13], $0x4000  }
0x13: {  	s10 =	sadd.s32 $0x4000, s10;
	s12 =	smov.u32 s16;
	[sflag:s13] =	ssyncset.done @!p0 $0x0  }
0x14: {  	s11 =	smov.u32 s15;
	[sflag:s13] =	ssyncadd.s32 @!p0 $0xFFFFC000;
	s13 =	smov.u32 s2  }
.LBB1_1:
0x15: {  	p0 =	sge.u32 s12, s4  }
0x16: {  	s15 =	sxor.u32 @!p0 $0xFFFFFFFF, s12;
	s16 =	smul.u32 @!p0 $0x1D00, s11  }
0x17: {  	s31 =	sadd.s32 $0xFFFFFFFF, s12;
	s17 =	simm.s32 @!p0 $0x800;
	s15 =	sshll.u32 @!p0 s15, $0xE  }
0x18: {  	s18 =	simm.s32 @!p0 $0xE800;
	s15 =	sand.u32 @!p0 $0x4000, s15;
	s16 =	sadd.s32 @!p0 s16, s6  }
0x19: {  	[tilespmem:s15], [sflag:$0x1] =	stream.strided.gather @!p0 [hbm4b:s16+s17], $0x4000, s18, s17, $0x38;
	[tilespmem:$0x10000] =	vst v63  }
0x1a: {  	p0 =	sge.u32 s31, s4  }
.Ltmp2:
0x1b: {  	_ = 	snop;
	(pc) =	sbr.rel @p0 .LBB1_7-.Ltmp2, $1  }
0x1c: {  	_ =	sdelay $0x3  }
0x1d: {  	s15 =	sand.u32 $0x4000, s10  }
0x1e: {  	_ =	swait.ge [sflag:s3], $0x4000;
	s18 =	sshll.u32 s12, $0xE;
	s16 =	sor.u32 $0x8040, s15  }
0x1f: {  	s17 =	sor.u32 $0x40, s15;
	[sflag:s3] =	ssyncset.done $0x0;
	s31 =	sand.u32 $0x4000, s18  }
0x20: {  	s18 =	simm.s32 $0x0;
	[sflag:s3] =	ssyncadd.s32 $0xFFFFC000;
	s15 =	sor.u32 $0x8000, s31  }
.LBB1_3:
0x21: {  	v0 =	vmov s17;
	_ =	sdelay $0x3  }
0x22: {  	s20 =	simm.s32 $0x0  }
0x23: {  	v6 =	vld.idx.msk [tilespmem:v0+s20+$0x30 ss:$0x1], $0xffff  }
0x24: {  	v7 =	vld.idx.msk [tilespmem:v0+s20+$0xFFFFFFC0 ss:$0x1], $0xffff  }
0x25: {  	v5 =	vld.idx.msk [tilespmem:v0+s20+$0xFFFFFFD0 ss:$0x1], $0xffff  }
0x26: {  	v4 =	vld.idx.msk [tilespmem:v0+s20+$0xFFFFFFE0 ss:$0x1], $0xffff  }
0x27: {  	v3 =	vld.idx.msk [tilespmem:v0+s20+$0xFFFFFFF0 ss:$0x1], $0xffff  }
0x28: {  	v1 =	vld.idx.msk [tilespmem:v0+s20+$0x0 ss:$0x1], $0xffff  }
0x29: {  	v2 =	vld.idx.msk [tilespmem:v0+s20+$0x10 ss:$0x1], $0xffff;
	[tilespmem:s16+$0x30] =	vst v6  }
0x2a: {  	s19 =	simm.s32 $0x80;
	s21 =	simm.s32 $0x400;
	[tilespmem:s16+$0xFFFFFFC0] =	vst v7;
	v6 =	vld.idx.msk [tilespmem:v0+s20+$0x20 ss:$0x1], $0xffff;
	s20 =	smov.u32 s16  }
.LBB1_4:
0x2b: {  	p0 =	sne.s32 s21, $0x1E00;
	v7 =	vld.idx.msk [tilespmem:v0+s19+$0x30 ss:$0x1], $0xffff;
	[tilespmem:s20+$0xFFFFFFD0] =	vst v5  }
0x2c: {  	v8 =	vld.idx.msk [tilespmem:v0+s19+$0xFFFFFFC0 ss:$0x1], $0xffff;
	[tilespmem:s20+$0xFFFFFFE0] =	vst v4  }
0x2d: {  	v5 =	vld.idx.msk [tilespmem:v0+s19+$0xFFFFFFD0 ss:$0x1], $0xffff;
	[tilespmem:s20+$0xFFFFFFF0] =	vst v3  }
.Ltmp3:
0x2e: {  	v4 =	vld.idx.msk [tilespmem:v0+s19+$0xFFFFFFE0 ss:$0x1], $0xffff;
	[tilespmem:s20+$0x0] =	vst v1;
	(pc) =	sbr.rel @p0 .LBB1_4-.Ltmp3, $4  }
0x2f: {  	v3 =	vld.idx.msk [tilespmem:v0+s19+$0xFFFFFFF0 ss:$0x1], $0xffff;
	[tilespmem:s20+$0x10] =	vst v2  }
0x30: {  	v1 =	vld.idx.msk [tilespmem:v0+s19+$0x0 ss:$0x1], $0xffff;
	[tilespmem:s20+$0x20] =	vst v6;
	s20 =	sadd.s32 $0x400, s20  }
0x31: {  	v2 =	vld.idx.msk [tilespmem:v0+s19+$0x10 ss:$0x1], $0xffff;
	[tilespmem:s20+$0x30] =	vst v7  }
0x32: {  	[tilespmem:s20+$0xFFFFFFC0] =	vst v8;
	v6 =	vld.idx.msk [tilespmem:v0+s19+$0x20 ss:$0x1], $0xffff;
	s19 =	sshra.s32 s21, $0x2;
	s21 =	sadd.s32 $0x200, s21  }
0x33: {  	_ =	sdelay $0x2  }
0x34: {  	[tilespmem:s20+$0xFFFFFFD0] =	vst v5  }
0x35: {  	v56 =	vld.idx.msk [tilespmem:v0+s19+$0x30 ss:$0x1], $0xffff;
	[tilespmem:s20+$0xFFFFFFE0] =	vst v4  }
0x36: {  	v57 =	vld.idx.msk [tilespmem:v0+s19+$0xFFFFFFC0 ss:$0x1], $0xffff;
	[tilespmem:s20+$0xFFFFFFF0] =	vst v3  }
0x37: {  	v58 =	vld.idx.msk [tilespmem:v0+s19+$0xFFFFFFD0 ss:$0x1], $0xffff;
	[tilespmem:s20+$0x0] =	vst v1  }
0x38: {  	v59 =	vld.idx.msk [tilespmem:v0+s19+$0xFFFFFFE0 ss:$0x1], $0xffff;
	[tilespmem:s20+$0x10] =	vst v2  }
0x39: {  	v60 =	vld.idx.msk [tilespmem:v0+s19+$0xFFFFFFF0 ss:$0x1], $0xffff;
	s31 =	sadd.s32 $0x400, s20;
	[tilespmem:s20+$0x20] =	vst v6  }
0x3a: {  	v61 =	vld.idx.msk [tilespmem:v0+s19+$0x0 ss:$0x1], $0xffff;
	[tilespmem:s31+$0x30] =	vst v56  }
0x3b: {  	v62 =	vld.idx.msk [tilespmem:v0+s19+$0x10 ss:$0x1], $0xffff;
	s18 =	sadd.s32 $0x1, s18;
	[tilespmem:s31+$0xFFFFFFC0] =	vst v57  }
0x3c: {  	v63 =	vld.idx.msk [tilespmem:v0+s19+$0x20 ss:$0x1], $0xffff;
	p0 =	sne.s32 s18, $0x8;
	[tilespmem:s31+$0xFFFFFFD0] =	vst v58  }
.Ltmp4:
0x3d: {  	[tilespmem:s31+$0xFFFFFFE0] =	vst v59;
	(pc) =	sbr.rel @p0 .LBB1_3-.Ltmp4, $4  }
0x3e: {  	[tilespmem:s31+$0xFFFFFFF0] =	vst v60  }
0x3f: {  	[tilespmem:s31+$0x0] =	vst v61  }
0x40: {  	[tilespmem:s31+$0x10] =	vst v62  }
0x41: {  	s16 =	sadd.s32 $0x80, s16;
	s17 =	sadd.s32 $0x800, s17;
	[tilespmem:s31+$0x20] =	vst v63  }
0x42: {  	s14 =	sand.u32 $0x1FFFFFF, s14  }
0x43: {  	s16 =	smulhi.u32 $0x2492493, s14;
	_ =	sdelay $0x1  }
0x44: {  	s13 =	smul.u32 $0xE00, s13;
	s16 =	sshrl.u32 s16, $0x1  }
0x45: {  	s16 =	smul.u32 $0xE0, s16  }
.Ltmp5:
0x46: {  	_ = 	snop;
	(pc) =	sbr.rel .LBB1_7-.Ltmp5, $4  }
0x47: {  	s14 =	ssub.s32 s14, s16  }
0x48: {  	s13 =	sadd.s32 s5, s13;
	s14 =	sshll.u32 s14, $0x4  }
0x49: {  	s13 =	sadd.s32 s14, s13  }
0x4a: {  	[hbm4b:s13+s8] =	stream.strided.scatter [tilespmem:s15], [sflag:$0x2], $0x4000, s9, s8, $0x38;
	[tilespmem:$0x10000] =	vst v63  }
.LBB1_8:
0x4b: {  	_ =	sfence.sel $0x180000  }
0x4c: {  	s2 =	simm.s32 $0x1;
	[bflag:$0x0] =	sbarrier.arrive $0xFFFF  }
0x4d: {  	s31 =	simm.s32 $0x2;
	[sflag:s2] =	ssyncpa.u1 $0x1  }
0x4e: {  	[sflag:s31] =	ssyncpa.u1 $0x1  }
0x4f: {  	p0 =	sne.s32 s0, $0x0;
	_ =	strace $0x90000050  }
0x50: {  	s0 =	sadd.s32 @!p0 $0x100000, s1;
	[bflag:$0x2] =	sbarrier.arrive $0xFFFF  }
0x51: {  	[sflag:s0] =	ssyncadd.tile.s32 @!p0 $0x1;
	_ =	shalt  }
.Lfunc_end1:
_tile_overlayer_lowered:
.L_overlay_start_2:
0x52: {  	(tag) =	ssettag $0x2  }
0x53: {  	s0 =	rddreg [dreg:$0x0];
	s2 =	stileid.u32  }
0x54: {  	s1 =	rddreg [dreg:$0x1];
	p0 =	sne.s32 s2, $0x0  }
0x55: {  	s3 =	rddreg [dreg:$0x2];
	[bflag:$0x3] =	sbarrier.arrive $0xFFFF;
	s2 =	simm.s32 @!p0 $0x1C01  }
0x56: {  	[timem:s3], [sflag:s2] =	dma.local @!p0 [hbm:s0], s1  }
0x57: {  	s0 =	simm.s32 @!p0 $0x1  }
0x58: {  	_ =	swait.ge @!p0 [sflag:s0], s1  }
0x59: {  	s1 =	ssub.s32 @!p0 $0x0, s1;
	[sflag:s0] =	ssyncset.done @!p0 $0x0  }
0x5a: {  	[sflag:s0] =	ssyncadd.s32 @!p0 s1  }
0x5b: {  	[bflag:$0x3] =	sbarrier.arrive $0xFFFF  }
0x5c: {  	_ =	shalt  }

// kernel: sparse-core-data-format-call.2.cloned.1.call-start
scs
called_computation.2_lowered:
.L_overlay_start_0:
0x0: {  	s1 =	sld [smem:$0x3FD9]  }
0x1: {  	s2 =	sld [smem:$0x3FFE];
	_ =	sdelay $0x1  }
0x2: {  	s3 =	srdreg.scid  }
0x3: {  	s0 =	sand.u32 $0x1, s3  }
0x4: {  	s17 =	sshll.u32 s0, $0xA;
	s1 =	sadd.s32 s2, s1  }
0x5: {  	s1 =	sadd.s32 s1, s17  }
0x6: {  	[smem:$0x3FB0] =	sst s1  }
0x7: {  	_ = 	snop  }
0x8: {  	(tm) =	ssettm $0x1  }
0x9: {  	s18 =	sld [smem:$0x3FFB];
	_ =	sdelay $0x3  }
0xa: {  	_ =	strace s18  }
0xb: {  	s1 =	sld [smem:$0x3FFC];
	_ =	sdelay $0x3  }
0xc: {  	_ =	strace s1  }
0xd: {  	s1 =	sld [smem:$0x3FFD];
	_ =	sdelay $0x3  }
0xe: {  	_ =	strace s1  }
0xf: {  	_ =	strace $0x8FFFFFFF  }
0x10: {  	s19 =	sld [smem:$0x3FDB];
	_ =	sdelay $0x1  }
0x11: {  	s20 =	simm.s32 $_scs_section_size  }
0x12: {  	s4 =	simm.s32 $_size__tile_overlayer_lowered;
	s5 =	simm.s32 $_tile_overlayer_lowered  }
0x13: {  	s23 =	simm.s32 $0x1BFF;
	s22 =	sshll.u32 s5, $0x1;
	s1 =	sadd.s32 s20, s19  }
0x14: {  	s6 =	simm.s32 $0x0;
	s21 =	sshll.u32 s4, $0x1;
	s4 =	sadd.s32 s22, s1  }
0x15: {  	[timem:s6], [sflag:s23] =	dma.local [hbm:s4], s21  }
0x16: {  	_ =	swait.ge [sflag:s23], s21  }
0x17: {  	s2 =	ssub.s32 $0x0, s21;
	[sflag:s23] =	ssyncset.done $0x0  }
0x18: {  	[sflag:s23] =	ssyncadd.s32 s2;
	_ =	sdelay $0x1  }
0x19: {  	s24 =	simm.s32 $0x1B8B  }
0x1a: {  	_ =	swait.ge [sflag:s24], $0x1  }
0x1b: {  	[sflag:s24] =	ssyncset.done $0x0  }
0x1c: {  	s26 =	simm.s32 $0x1B8E;
	s25 =	sld [smem:$0x3FFE];
	[sflag:s24] =	ssyncadd.s32 $0xFFFFFFFF  }
0x1d: {  	s27 =	simm.s32 $execute0_lowered;
	[smem:$0x3FD2] =	sst s26  }
0x1e: {  	s4 =	sshll.u32 s27, $0x1;
	_ =	strace $0x8000004C;
	[dreg:$0x1] =	wrdreg $0xFFFFFFFF  }
0x1f: {  	s28 =	simm.s32 $_size_execute0_lowered;
	s1 =	sadd.s32 s1, s4;
	[dreg:$0x0] =	wrdreg $0x0  }
0x20: {  	s4 =	sshll.u32 s28, $0x1;
	[dreg:$0x2] =	wrdreg s1  }
0x21: {  	[dreg:$0x3] =	wrdreg s4  }
0x22: {  	[dreg:$0x4] =	wrdreg $0xC0  }
0x23: {  	_ =	task [dreg:s6], $0x5FFFF  }
0x24: {  	[dreg:$0x1] =	wrdreg $0xFFFFFFFF  }
0x25: {  	[dreg:$0x0] =	wrdreg $0x60  }
0x26: {  	[dreg:$0x2] =	wrdreg s25  }
0x27: {  	[dreg:$0x3] =	wrdreg $0x9  }
0x28: {  	_ =	task.clear_ibuf [dreg:s6], $0x4FFFF;
	_ =	strace $0x9000004C  }
0x29: {  	s29 =	simm.s32 $0x9;
	_ =	strace $0x8000004E  }
0x2a: {  	_ =	swait.ge [sflag:s29], $0x1  }
0x2b: {  	[sflag:s29] =	ssyncadd.s32 $0xFFFFFFFF  }
0x2c: {  	_ =	strace $0x9000004E  }
0x2d: {  	_ =	sfence  }
0x2e: {  	s30 =	sld [smem:$0x0];
	_ =	sdelay $0x2  }
0x2f: {  	s31 =	sshll.u32 s3, $0xD;
	s3 =	sshrl.u32 s3, $0x2  }
0x30: {  	s2 =	sand.u32 $0x4000, s31;
	s1 =	sadd.s32 s3, s30  }
0x31: {  	s0 =	sor.u32 s2, s0;
	s1 =	sshll.u32 s1, $0x11  }
0x32: {  	s0 =	sor.u32 s1, s0  }
0x33: {  	s0 =	sadd.s32 $0x8F2B, s0  }
0x34: {  	[sflag:s0] =	ssyncadd.remote.s32 $0x1  }
0x35: {  	_ =	sfence.sel $0xFFFF  }
0x36: {  	[dreg:$0x0] =	wrdreg $0xFFFFFFFF;
	(pc) =	sbr.abs _section_cstart, $3  }
0x37: {  	[dreg:$0x1] =	wrdreg $0xFFFFFFFF  }
0x38: {  	_ =	task.clear_ibuf [dreg:s6], $0x2FFFF;
	_ =	strace $0x9FFFFFFF  }
0x39: {  	(tm) =	ssettm $0x7FFFFFFF  }
tec
execute0_lowered:
.L_overlay_start_1:
0x0: {  	(tag) =	ssettag $0x1  }
0x1: {  	s0 =	srdreg.scid  }
0x2: {  	s1 =	sshll.u32 s0, $0x4  }
0x3: {  	s0 =	stileid.u32;
	s1 =	sand.u32 $0x10, s1  }
0x4: {  	s5 =	rddreg [dreg:$0x0];
	s7 =	simm.s32 $0x2;
	s2 =	sor.u32 s0, s1  }
0x5: {  	s13 =	simm.s32 $0x0;
	s8 =	simm.s32 $0x400;
	s3 =	ssub.s32 $0x1E, s2  }
0x6: {  	s9 =	simm.s32 $0xD2000;
	s10 =	simm.s32 $0x0;
	p0 =	sgt.s32 s3, $0x0  }
0x7: {  	s14 =	simm.s32 $0x0;
	s11 =	simm.s32 $0x0;
	s3 =	simm.s32 @!p0 $0x0  }
.Ltmp0:
0x8: {  	s12 =	simm.s32 $0x0;
	s4 =	sadd.s32 $0x1F, s3;
	(pc) =	sbr.rel .LBB1_1-.Ltmp0, $4  }
0x9: {  	s1 =	rddreg [dreg:$0x1];
	_ =	strace $0x8000004D;
	s4 =	sshrl.u32 s4, $0x5  }
0xa: {  	s6 =	sshll.u32 s2, $0x8;
	s3 =	simm.s32 $0x1;
	s4 =	smul.u32 $0x1C, s4  }
0xb: {  	s6 =	sadd.s32 s6, s5;
	s5 =	sadd.s32 $0x76B400, s5;
	[sflag:s3] =	ssyncpa.u1 $0x0  }
0xc: {  	s6 =	sadd.s32 $0x5C7400, s6;
	[sflag:s7] =	ssyncpa.u1 $0x0;
	s7 =	sor.u32 $0x1, s4  }
.LBB1_7:
0xd: {  	s15 =	sadd.s32 $0x8, s11  }
0xe: {  	p1 =	sgt.s32 s15, $0xDF  }
0xf: {  	s15 =	simm.s32 @p1 $0x0;
	p1 =	sne.s32 s12, s7  }
.Ltmp1:
0x10: {  	p0 =	slt.u32 s12, $0x2;
	(pc) =	sbr.rel @!p1 .LBB1_8-.Ltmp1, $4  }
0x11: {  	s13 =	simm.s32 @!p0 $0x2  }
0x12: {  	s16 =	sadd.s32 $0x1, s12;
	s14 =	smov.u32 s11;
	_ =	swait.ge @!p0 [sflag:s13], $0x4000  }
0x13: {  	s10 =	sadd.s32 $0x4000, s10;
	s12 =	smov.u32 s16;
	[sflag:s13] =	ssyncset.done @!p0 $0x0  }
0x14: {  	s11 =	smov.u32 s15;
	[sflag:s13] =	ssyncadd.s32 @!p0 $0xFFFFC000;
	s13 =	smov.u32 s2  }
.LBB1_1:
0x15: {  	p0 =	sge.u32 s12, s4  }
0x16: {  	s15 =	sxor.u32 @!p0 $0xFFFFFFFF, s12;
	s16 =	smul.u32 @!p0 $0x1E00, s11  }
0x17: {  	s31 =	sadd.s32 $0xFFFFFFFF, s12;
	s17 =	simm.s32 @!p0 $0x800;
	s15 =	sshll.u32 @!p0 s15, $0xE  }
0x18: {  	s18 =	simm.s32 @!p0 $0xF000;
	s15 =	sand.u32 @!p0 $0x4000, s15;
	s16 =	sadd.s32 @!p0 s16, s6  }
0x19: {  	[tilespmem:s15], [sflag:$0x1] =	stream.strided.gather @!p0 [hbm4b:s16+s17], $0x4000, s18, s17, $0x38;
	[tilespmem:$0x10000] =	vst v63  }
0x1a: {  	p0 =	sge.u32 s31, s4  }
.Ltmp2:
0x1b: {  	_ = 	snop;
	(pc) =	sbr.rel @p0 .LBB1_7-.Ltmp2, $1  }
0x1c: {  	_ =	sdelay $0x3  }
0x1d: {  	s15 =	sand.u32 $0x4000, s10  }
0x1e: {  	_ =	swait.ge [sflag:s3], $0x4000;
	s18 =	sshll.u32 s12, $0xE;
	s16 =	sor.u32 $0x8040, s15  }
0x1f: {  	s17 =	sor.u32 $0x40, s15;
	[sflag:s3] =	ssyncset.done $0x0;
	s31 =	sand.u32 $0x4000, s18  }
0x20: {  	s18 =	simm.s32 $0x0;
	[sflag:s3] =	ssyncadd.s32 $0xFFFFC000;
	s15 =	sor.u32 $0x8000, s31  }
.LBB1_3:
0x21: {  	v0 =	vmov s17;
	_ =	sdelay $0x3  }
0x22: {  	s20 =	simm.s32 $0x0  }
0x23: {  	v6 =	vld.idx.msk [tilespmem:v0+s20+$0x30 ss:$0x1], $0xffff  }
0x24: {  	v7 =	vld.idx.msk [tilespmem:v0+s20+$0xFFFFFFC0 ss:$0x1], $0xffff  }
0x25: {  	v5 =	vld.idx.msk [tilespmem:v0+s20+$0xFFFFFFD0 ss:$0x1], $0xffff  }
0x26: {  	v4 =	vld.idx.msk [tilespmem:v0+s20+$0xFFFFFFE0 ss:$0x1], $0xffff  }
0x27: {  	v3 =	vld.idx.msk [tilespmem:v0+s20+$0xFFFFFFF0 ss:$0x1], $0xffff  }
0x28: {  	v1 =	vld.idx.msk [tilespmem:v0+s20+$0x0 ss:$0x1], $0xffff  }
0x29: {  	v2 =	vld.idx.msk [tilespmem:v0+s20+$0x10 ss:$0x1], $0xffff;
	[tilespmem:s16+$0x30] =	vst v6  }
0x2a: {  	s19 =	simm.s32 $0x80;
	s21 =	simm.s32 $0x400;
	[tilespmem:s16+$0xFFFFFFC0] =	vst v7;
	v6 =	vld.idx.msk [tilespmem:v0+s20+$0x20 ss:$0x1], $0xffff;
	s20 =	smov.u32 s16  }
.LBB1_4:
0x2b: {  	p0 =	sne.s32 s21, $0x1E00;
	v7 =	vld.idx.msk [tilespmem:v0+s19+$0x30 ss:$0x1], $0xffff;
	[tilespmem:s20+$0xFFFFFFD0] =	vst v5  }
0x2c: {  	v8 =	vld.idx.msk [tilespmem:v0+s19+$0xFFFFFFC0 ss:$0x1], $0xffff;
	[tilespmem:s20+$0xFFFFFFE0] =	vst v4  }
0x2d: {  	v5 =	vld.idx.msk [tilespmem:v0+s19+$0xFFFFFFD0 ss:$0x1], $0xffff;
	[tilespmem:s20+$0xFFFFFFF0] =	vst v3  }
.Ltmp3:
0x2e: {  	v4 =	vld.idx.msk [tilespmem:v0+s19+$0xFFFFFFE0 ss:$0x1], $0xffff;
	[tilespmem:s20+$0x0] =	vst v1;
	(pc) =	sbr.rel @p0 .LBB1_4-.Ltmp3, $4  }
0x2f: {  	v3 =	vld.idx.msk [tilespmem:v0+s19+$0xFFFFFFF0 ss:$0x1], $0xffff;
	[tilespmem:s20+$0x10] =	vst v2  }
0x30: {  	v1 =	vld.idx.msk [tilespmem:v0+s19+$0x0 ss:$0x1], $0xffff;
	[tilespmem:s20+$0x20] =	vst v6;
	s20 =	sadd.s32 $0x400, s20  }
0x31: {  	v2 =	vld.idx.msk [tilespmem:v0+s19+$0x10 ss:$0x1], $0xffff;
	[tilespmem:s20+$0x30] =	vst v7  }
0x32: {  	[tilespmem:s20+$0xFFFFFFC0] =	vst v8;
	v6 =	vld.idx.msk [tilespmem:v0+s19+$0x20 ss:$0x1], $0xffff;
	s19 =	sshra.s32 s21, $0x2;
	s21 =	sadd.s32 $0x200, s21  }
0x33: {  	_ =	sdelay $0x2  }
0x34: {  	[tilespmem:s20+$0xFFFFFFD0] =	vst v5  }
0x35: {  	v56 =	vld.idx.msk [tilespmem:v0+s19+$0x30 ss:$0x1], $0xffff;
	[tilespmem:s20+$0xFFFFFFE0] =	vst v4  }
0x36: {  	v57 =	vld.idx.msk [tilespmem:v0+s19+$0xFFFFFFC0 ss:$0x1], $0xffff;
	[tilespmem:s20+$0xFFFFFFF0] =	vst v3  }
0x37: {  	v58 =	vld.idx.msk [tilespmem:v0+s19+$0xFFFFFFD0 ss:$0x1], $0xffff;
	[tilespmem:s20+$0x0] =	vst v1  }
0x38: {  	v59 =	vld.idx.msk [tilespmem:v0+s19+$0xFFFFFFE0 ss:$0x1], $0xffff;
	[tilespmem:s20+$0x10] =	vst v2  }
0x39: {  	v60 =	vld.idx.msk [tilespmem:v0+s19+$0xFFFFFFF0 ss:$0x1], $0xffff;
	s31 =	sadd.s32 $0x400, s20;
	[tilespmem:s20+$0x20] =	vst v6  }
0x3a: {  	v61 =	vld.idx.msk [tilespmem:v0+s19+$0x0 ss:$0x1], $0xffff;
	[tilespmem:s31+$0x30] =	vst v56  }
0x3b: {  	v62 =	vld.idx.msk [tilespmem:v0+s19+$0x10 ss:$0x1], $0xffff;
	s18 =	sadd.s32 $0x1, s18;
	[tilespmem:s31+$0xFFFFFFC0] =	vst v57  }
0x3c: {  	v63 =	vld.idx.msk [tilespmem:v0+s19+$0x20 ss:$0x1], $0xffff;
	p0 =	sne.s32 s18, $0x8;
	[tilespmem:s31+$0xFFFFFFD0] =	vst v58  }
.Ltmp4:
0x3d: {  	[tilespmem:s31+$0xFFFFFFE0] =	vst v59;
	(pc) =	sbr.rel @p0 .LBB1_3-.Ltmp4, $4  }
0x3e: {  	[tilespmem:s31+$0xFFFFFFF0] =	vst v60  }
0x3f: {  	[tilespmem:s31+$0x0] =	vst v61  }
0x40: {  	[tilespmem:s31+$0x10] =	vst v62  }
0x41: {  	s16 =	sadd.s32 $0x80, s16;
	s17 =	sadd.s32 $0x800, s17;
	[tilespmem:s31+$0x20] =	vst v63  }
0x42: {  	s14 =	sand.u32 $0x1FFFFFF, s14  }
0x43: {  	s16 =	smulhi.u32 $0x2492493, s14;
	_ =	sdelay $0x1  }
0x44: {  	s13 =	smul.u32 $0xE00, s13;
	s16 =	sshrl.u32 s16, $0x1  }
0x45: {  	s16 =	smul.u32 $0xE0, s16  }
.Ltmp5:
0x46: {  	_ = 	snop;
	(pc) =	sbr.rel .LBB1_7-.Ltmp5, $4  }
0x47: {  	s14 =	ssub.s32 s14, s16  }
0x48: {  	s13 =	sadd.s32 s5, s13;
	s14 =	sshll.u32 s14, $0x4  }
0x49: {  	s13 =	sadd.s32 s14, s13  }
0x4a: {  	[hbm4b:s13+s8] =	stream.strided.scatter [tilespmem:s15], [sflag:$0x2], $0x4000, s9, s8, $0x38;
	[tilespmem:$0x10000] =	vst v63  }
.LBB1_8:
0x4b: {  	_ =	sfence.sel $0x180000  }
0x4c: {  	s2 =	simm.s32 $0x1;
	[bflag:$0x0] =	sbarrier.arrive $0xFFFF  }
0x4d: {  	s31 =	simm.s32 $0x2;
	[sflag:s2] =	ssyncpa.u1 $0x1  }
0x4e: {  	[sflag:s31] =	ssyncpa.u1 $0x1  }
0x4f: {  	p0 =	sne.s32 s0, $0x0;
	_ =	strace $0x9000004D  }
0x50: {  	s0 =	sadd.s32 @!p0 $0x100000, s1;
	[bflag:$0x2] =	sbarrier.arrive $0xFFFF  }
0x51: {  	[sflag:s0] =	ssyncadd.tile.s32 @!p0 $0x1;
	_ =	shalt  }
.Lfunc_end1:
_tile_overlayer_lowered:
.L_overlay_start_2:
0x52: {  	(tag) =	ssettag $0x2  }
0x53: {  	s0 =	rddreg [dreg:$0x0];
	s2 =	stileid.u32  }
0x54: {  	s1 =	rddreg [dreg:$0x1];
	p0 =	sne.s32 s2, $0x0  }
0x55: {  	s3 =	rddreg [dreg:$0x2];
	[bflag:$0x3] =	sbarrier.arrive $0xFFFF;
	s2 =	simm.s32 @!p0 $0x1C01  }
0x56: {  	[timem:s3], [sflag:s2] =	dma.local @!p0 [hbm:s0], s1  }
0x57: {  	s0 =	simm.s32 @!p0 $0x1  }
0x58: {  	_ =	swait.ge @!p0 [sflag:s0], s1  }
0x59: {  	s1 =	ssub.s32 @!p0 $0x0, s1;
	[sflag:s0] =	ssyncset.done @!p0 $0x0  }
0x5a: {  	[sflag:s0] =	ssyncadd.s32 @!p0 s1  }
0x5b: {  	[bflag:$0x3] =	sbarrier.arrive $0xFFFF  }
0x5c: {  	_ =	shalt  }

// kernel: sparse-core-data-format-call.3.cloned.1.call-start
scs
called_computation.3_lowered:
.L_overlay_start_0:
0x0: {  	s1 =	sld [smem:$0x3FD9]  }
0x1: {  	s2 =	sld [smem:$0x3FFE];
	_ =	sdelay $0x1  }
0x2: {  	s3 =	srdreg.scid  }
0x3: {  	s0 =	sand.u32 $0x1, s3  }
0x4: {  	s17 =	sshll.u32 s0, $0xA;
	s1 =	sadd.s32 s2, s1  }
0x5: {  	s1 =	sadd.s32 s1, s17  }
0x6: {  	[smem:$0x3FB0] =	sst s1  }
0x7: {  	_ = 	snop  }
0x8: {  	(tm) =	ssettm $0x1  }
0x9: {  	s18 =	sld [smem:$0x3FFB];
	_ =	sdelay $0x3  }
0xa: {  	_ =	strace s18  }
0xb: {  	s1 =	sld [smem:$0x3FFC];
	_ =	sdelay $0x3  }
0xc: {  	_ =	strace s1  }
0xd: {  	s1 =	sld [smem:$0x3FFD];
	_ =	sdelay $0x3  }
0xe: {  	_ =	strace s1  }
0xf: {  	_ =	strace $0x8FFFFFFF  }
0x10: {  	s19 =	sld [smem:$0x3FDB];
	_ =	sdelay $0x1  }
0x11: {  	s20 =	simm.s32 $_scs_section_size  }
0x12: {  	s4 =	simm.s32 $_size__tile_overlayer_lowered;
	s5 =	simm.s32 $_tile_overlayer_lowered  }
0x13: {  	s23 =	simm.s32 $0x1BFF;
	s22 =	sshll.u32 s5, $0x1;
	s1 =	sadd.s32 s20, s19  }
0x14: {  	s6 =	simm.s32 $0x0;
	s21 =	sshll.u32 s4, $0x1;
	s4 =	sadd.s32 s22, s1  }
0x15: {  	[timem:s6], [sflag:s23] =	dma.local [hbm:s4], s21  }
0x16: {  	_ =	swait.ge [sflag:s23], s21  }
0x17: {  	s2 =	ssub.s32 $0x0, s21;
	[sflag:s23] =	ssyncset.done $0x0  }
0x18: {  	[sflag:s23] =	ssyncadd.s32 s2;
	_ =	sdelay $0x1  }
0x19: {  	s24 =	simm.s32 $0x1B8B  }
0x1a: {  	_ =	swait.ge [sflag:s24], $0x1  }
0x1b: {  	[sflag:s24] =	ssyncset.done $0x0  }
0x1c: {  	s26 =	simm.s32 $0x1B8E;
	s25 =	sld [smem:$0x3FFE];
	[sflag:s24] =	ssyncadd.s32 $0xFFFFFFFF  }
0x1d: {  	s27 =	simm.s32 $execute0_lowered;
	[smem:$0x3FD2] =	sst s26  }
0x1e: {  	s4 =	sshll.u32 s27, $0x1;
	_ =	strace $0x80000049;
	[dreg:$0x1] =	wrdreg $0xFFFFFFFF  }
0x1f: {  	s28 =	simm.s32 $_size_execute0_lowered;
	s1 =	sadd.s32 s1, s4;
	[dreg:$0x0] =	wrdreg $0x0  }
0x20: {  	s4 =	sshll.u32 s28, $0x1;
	[dreg:$0x2] =	wrdreg s1  }
0x21: {  	[dreg:$0x3] =	wrdreg s4  }
0x22: {  	[dreg:$0x4] =	wrdreg $0xC0  }
0x23: {  	_ =	task [dreg:s6], $0x5FFFF  }
0x24: {  	[dreg:$0x1] =	wrdreg $0xFFFFFFFF  }
0x25: {  	[dreg:$0x0] =	wrdreg $0x60  }
0x26: {  	[dreg:$0x2] =	wrdreg s25  }
0x27: {  	[dreg:$0x3] =	wrdreg $0x9  }
0x28: {  	_ =	task.clear_ibuf [dreg:s6], $0x4FFFF;
	_ =	strace $0x90000049  }
0x29: {  	s29 =	simm.s32 $0x9;
	_ =	strace $0x8000004B  }
0x2a: {  	_ =	swait.ge [sflag:s29], $0x1  }
0x2b: {  	[sflag:s29] =	ssyncadd.s32 $0xFFFFFFFF  }
0x2c: {  	_ =	strace $0x9000004B  }
0x2d: {  	_ =	sfence  }
0x2e: {  	s30 =	sld [smem:$0x0];
	_ =	sdelay $0x2  }
0x2f: {  	s31 =	sshll.u32 s3, $0xD;
	s3 =	sshrl.u32 s3, $0x2  }
0x30: {  	s2 =	sand.u32 $0x4000, s31;
	s1 =	sadd.s32 s3, s30  }
0x31: {  	s0 =	sor.u32 s2, s0;
	s1 =	sshll.u32 s1, $0x11  }
0x32: {  	s0 =	sor.u32 s1, s0  }
0x33: {  	s0 =	sadd.s32 $0x8F2B, s0  }
0x34: {  	[sflag:s0] =	ssyncadd.remote.s32 $0x1  }
0x35: {  	_ =	sfence.sel $0xFFFF  }
0x36: {  	[dreg:$0x0] =	wrdreg $0xFFFFFFFF;
	(pc) =	sbr.abs _section_cstart, $3  }
0x37: {  	[dreg:$0x1] =	wrdreg $0xFFFFFFFF  }
0x38: {  	_ =	task.clear_ibuf [dreg:s6], $0x2FFFF;
	_ =	strace $0x9FFFFFFF  }
0x39: {  	(tm) =	ssettm $0x7FFFFFFF  }
tec
execute0_lowered:
.L_overlay_start_1:
0x0: {  	(tag) =	ssettag $0x1  }
0x1: {  	s0 =	srdreg.scid  }
0x2: {  	s1 =	sshll.u32 s0, $0x4  }
0x3: {  	s0 =	stileid.u32;
	s1 =	sand.u32 $0x10, s1  }
0x4: {  	s5 =	rddreg [dreg:$0x0];
	s7 =	simm.s32 $0x2;
	s2 =	sor.u32 s0, s1  }
0x5: {  	s13 =	simm.s32 $0x0;
	s8 =	simm.s32 $0x400;
	s3 =	ssub.s32 $0x1E, s2  }
0x6: {  	s9 =	simm.s32 $0xD2000;
	s10 =	simm.s32 $0x0;
	p0 =	sgt.s32 s3, $0x0  }
0x7: {  	s14 =	simm.s32 $0x0;
	s11 =	simm.s32 $0x0;
	s3 =	simm.s32 @!p0 $0x0  }
.Ltmp0:
0x8: {  	s12 =	simm.s32 $0x0;
	s4 =	sadd.s32 $0x1F, s3;
	(pc) =	sbr.rel .LBB1_1-.Ltmp0, $4  }
0x9: {  	s1 =	rddreg [dreg:$0x1];
	_ =	strace $0x8000004A;
	s4 =	sshrl.u32 s4, $0x5  }
0xa: {  	s6 =	sshll.u32 s2, $0x8;
	s3 =	simm.s32 $0x1;
	s4 =	smul.u32 $0x1C, s4  }
0xb: {  	s6 =	sadd.s32 s6, s5;
	s5 =	sadd.s32 $0x423400, s5;
	[sflag:s3] =	ssyncpa.u1 $0x0  }
0xc: {  	s6 =	sadd.s32 $0x27F400, s6;
	[sflag:s7] =	ssyncpa.u1 $0x0;
	s7 =	sor.u32 $0x1, s4  }
.LBB1_7:
0xd: {  	s15 =	sadd.s32 $0x8, s11  }
0xe: {  	p1 =	sgt.s32 s15, $0xDF  }
0xf: {  	s15 =	simm.s32 @p1 $0x0;
	p1 =	sne.s32 s12, s7  }
.Ltmp1:
0x10: {  	p0 =	slt.u32 s12, $0x2;
	(pc) =	sbr.rel @!p1 .LBB1_8-.Ltmp1, $4  }
0x11: {  	s13 =	simm.s32 @!p0 $0x2  }
0x12: {  	s16 =	sadd.s32 $0x1, s12;
	s14 =	smov.u32 s11;
	_ =	swait.ge @!p0 [sflag:s13], $0x4000  }
0x13: {  	s10 =	sadd.s32 $0x4000, s10;
	s12 =	smov.u32 s16;
	[sflag:s13] =	ssyncset.done @!p0 $0x0  }
0x14: {  	s11 =	smov.u32 s15;
	[sflag:s13] =	ssyncadd.s32 @!p0 $0xFFFFC000;
	s13 =	smov.u32 s2  }
.LBB1_1:
0x15: {  	p0 =	sge.u32 s12, s4  }
0x16: {  	s15 =	sxor.u32 @!p0 $0xFFFFFFFF, s12;
	s16 =	smul.u32 @!p0 $0x1E00, s11  }
0x17: {  	s31 =	sadd.s32 $0xFFFFFFFF, s12;
	s17 =	simm.s32 @!p0 $0x800;
	s15 =	sshll.u32 @!p0 s15, $0xE  }
0x18: {  	s18 =	simm.s32 @!p0 $0xF000;
	s15 =	sand.u32 @!p0 $0x4000, s15;
	s16 =	sadd.s32 @!p0 s16, s6  }
0x19: {  	[tilespmem:s15], [sflag:$0x1] =	stream.strided.gather @!p0 [hbm4b:s16+s17], $0x4000, s18, s17, $0x38;
	[tilespmem:$0x10000] =	vst v63  }
0x1a: {  	p0 =	sge.u32 s31, s4  }
.Ltmp2:
0x1b: {  	_ = 	snop;
	(pc) =	sbr.rel @p0 .LBB1_7-.Ltmp2, $1  }
0x1c: {  	_ =	sdelay $0x3  }
0x1d: {  	s15 =	sand.u32 $0x4000, s10  }
0x1e: {  	_ =	swait.ge [sflag:s3], $0x4000;
	s18 =	sshll.u32 s12, $0xE;
	s16 =	sor.u32 $0x8040, s15  }
0x1f: {  	s17 =	sor.u32 $0x40, s15;
	[sflag:s3] =	ssyncset.done $0x0;
	s31 =	sand.u32 $0x4000, s18  }
0x20: {  	s18 =	simm.s32 $0x0;
	[sflag:s3] =	ssyncadd.s32 $0xFFFFC000;
	s15 =	sor.u32 $0x8000, s31  }
.LBB1_3:
0x21: {  	v0 =	vmov s17;
	_ =	sdelay $0x3  }
0x22: {  	s20 =	simm.s32 $0x0  }
0x23: {  	v6 =	vld.idx.msk [tilespmem:v0+s20+$0x30 ss:$0x1], $0xffff  }
0x24: {  	v7 =	vld.idx.msk [tilespmem:v0+s20+$0xFFFFFFC0 ss:$0x1], $0xffff  }
0x25: {  	v5 =	vld.idx.msk [tilespmem:v0+s20+$0xFFFFFFD0 ss:$0x1], $0xffff  }
0x26: {  	v4 =	vld.idx.msk [tilespmem:v0+s20+$0xFFFFFFE0 ss:$0x1], $0xffff  }
0x27: {  	v3 =	vld.idx.msk [tilespmem:v0+s20+$0xFFFFFFF0 ss:$0x1], $0xffff  }
0x28: {  	v1 =	vld.idx.msk [tilespmem:v0+s20+$0x0 ss:$0x1], $0xffff  }
0x29: {  	v2 =	vld.idx.msk [tilespmem:v0+s20+$0x10 ss:$0x1], $0xffff;
	[tilespmem:s16+$0x30] =	vst v6  }
0x2a: {  	s19 =	simm.s32 $0x80;
	s21 =	simm.s32 $0x400;
	[tilespmem:s16+$0xFFFFFFC0] =	vst v7;
	v6 =	vld.idx.msk [tilespmem:v0+s20+$0x20 ss:$0x1], $0xffff;
	s20 =	smov.u32 s16  }
.LBB1_4:
0x2b: {  	p0 =	sne.s32 s21, $0x1E00;
	v7 =	vld.idx.msk [tilespmem:v0+s19+$0x30 ss:$0x1], $0xffff;
	[tilespmem:s20+$0xFFFFFFD0] =	vst v5  }
0x2c: {  	v8 =	vld.idx.msk [tilespmem:v0+s19+$0xFFFFFFC0 ss:$0x1], $0xffff;
	[tilespmem:s20+$0xFFFFFFE0] =	vst v4  }
0x2d: {  	v5 =	vld.idx.msk [tilespmem:v0+s19+$0xFFFFFFD0 ss:$0x1], $0xffff;
	[tilespmem:s20+$0xFFFFFFF0] =	vst v3  }
.Ltmp3:
0x2e: {  	v4 =	vld.idx.msk [tilespmem:v0+s19+$0xFFFFFFE0 ss:$0x1], $0xffff;
	[tilespmem:s20+$0x0] =	vst v1;
	(pc) =	sbr.rel @p0 .LBB1_4-.Ltmp3, $4  }
0x2f: {  	v3 =	vld.idx.msk [tilespmem:v0+s19+$0xFFFFFFF0 ss:$0x1], $0xffff;
	[tilespmem:s20+$0x10] =	vst v2  }
0x30: {  	v1 =	vld.idx.msk [tilespmem:v0+s19+$0x0 ss:$0x1], $0xffff;
	[tilespmem:s20+$0x20] =	vst v6;
	s20 =	sadd.s32 $0x400, s20  }
0x31: {  	v2 =	vld.idx.msk [tilespmem:v0+s19+$0x10 ss:$0x1], $0xffff;
	[tilespmem:s20+$0x30] =	vst v7  }
0x32: {  	[tilespmem:s20+$0xFFFFFFC0] =	vst v8;
	v6 =	vld.idx.msk [tilespmem:v0+s19+$0x20 ss:$0x1], $0xffff;
	s19 =	sshra.s32 s21, $0x2;
	s21 =	sadd.s32 $0x200, s21  }
0x33: {  	_ =	sdelay $0x2  }
0x34: {  	[tilespmem:s20+$0xFFFFFFD0] =	vst v5  }
0x35: {  	v56 =	vld.idx.msk [tilespmem:v0+s19+$0x30 ss:$0x1], $0xffff;
	[tilespmem:s20+$0xFFFFFFE0] =	vst v4  }
0x36: {  	v57 =	vld.idx.msk [tilespmem:v0+s19+$0xFFFFFFC0 ss:$0x1], $0xffff;
	[tilespmem:s20+$0xFFFFFFF0] =	vst v3  }
0x37: {  	v58 =	vld.idx.msk [tilespmem:v0+s19+$0xFFFFFFD0 ss:$0x1], $0xffff;
	[tilespmem:s20+$0x0] =	vst v1  }
0x38: {  	v59 =	vld.idx.msk [tilespmem:v0+s19+$0xFFFFFFE0 ss:$0x1], $0xffff;
	[tilespmem:s20+$0x10] =	vst v2  }
0x39: {  	v60 =	vld.idx.msk [tilespmem:v0+s19+$0xFFFFFFF0 ss:$0x1], $0xffff;
	s31 =	sadd.s32 $0x400, s20;
	[tilespmem:s20+$0x20] =	vst v6  }
0x3a: {  	v61 =	vld.idx.msk [tilespmem:v0+s19+$0x0 ss:$0x1], $0xffff;
	[tilespmem:s31+$0x30] =	vst v56  }
0x3b: {  	v62 =	vld.idx.msk [tilespmem:v0+s19+$0x10 ss:$0x1], $0xffff;
	s18 =	sadd.s32 $0x1, s18;
	[tilespmem:s31+$0xFFFFFFC0] =	vst v57  }
0x3c: {  	v63 =	vld.idx.msk [tilespmem:v0+s19+$0x20 ss:$0x1], $0xffff;
	p0 =	sne.s32 s18, $0x8;
	[tilespmem:s31+$0xFFFFFFD0] =	vst v58  }
.Ltmp4:
0x3d: {  	[tilespmem:s31+$0xFFFFFFE0] =	vst v59;
	(pc) =	sbr.rel @p0 .LBB1_3-.Ltmp4, $4  }
0x3e: {  	[tilespmem:s31+$0xFFFFFFF0] =	vst v60  }
0x3f: {  	[tilespmem:s31+$0x0] =	vst v61  }
0x40: {  	[tilespmem:s31+$0x10] =	vst v62  }
0x41: {  	s16 =	sadd.s32 $0x80, s16;
	s17 =	sadd.s32 $0x800, s17;
	[tilespmem:s31+$0x20] =	vst v63  }
0x42: {  	s14 =	sand.u32 $0x1FFFFFF, s14  }
0x43: {  	s16 =	smulhi.u32 $0x2492493, s14;
	_ =	sdelay $0x1  }
0x44: {  	s13 =	smul.u32 $0xE00, s13;
	s16 =	sshrl.u32 s16, $0x1  }
0x45: {  	s16 =	smul.u32 $0xE0, s16  }
.Ltmp5:
0x46: {  	_ = 	snop;
	(pc) =	sbr.rel .LBB1_7-.Ltmp5, $4  }
0x47: {  	s14 =	ssub.s32 s14, s16  }
0x48: {  	s13 =	sadd.s32 s5, s13;
	s14 =	sshll.u32 s14, $0x4  }
0x49: {  	s13 =	sadd.s32 s14, s13  }
0x4a: {  	[hbm4b:s13+s8] =	stream.strided.scatter [tilespmem:s15], [sflag:$0x2], $0x4000, s9, s8, $0x38;
	[tilespmem:$0x10000] =	vst v63  }
.LBB1_8:
0x4b: {  	_ =	sfence.sel $0x180000  }
0x4c: {  	s2 =	simm.s32 $0x1;
	[bflag:$0x0] =	sbarrier.arrive $0xFFFF  }
0x4d: {  	s31 =	simm.s32 $0x2;
	[sflag:s2] =	ssyncpa.u1 $0x1  }
0x4e: {  	[sflag:s31] =	ssyncpa.u1 $0x1  }
0x4f: {  	p0 =	sne.s32 s0, $0x0;
	_ =	strace $0x9000004A  }
0x50: {  	s0 =	sadd.s32 @!p0 $0x100000, s1;
	[bflag:$0x2] =	sbarrier.arrive $0xFFFF  }
0x51: {  	[sflag:s0] =	ssyncadd.tile.s32 @!p0 $0x1;
	_ =	shalt  }
.Lfunc_end1:
_tile_overlayer_lowered:
.L_overlay_start_2:
0x52: {  	(tag) =	ssettag $0x2  }
0x53: {  	s0 =	rddreg [dreg:$0x0];
	s2 =	stileid.u32  }
0x54: {  	s1 =	rddreg [dreg:$0x1];
	p0 =	sne.s32 s2, $0x0  }
0x55: {  	s3 =	rddreg [dreg:$0x2];
	[bflag:$0x3] =	sbarrier.arrive $0xFFFF;
	s2 =	simm.s32 @!p0 $0x1C01  }
0x56: {  	[timem:s3], [sflag:s2] =	dma.local @!p0 [hbm:s0], s1  }
0x57: {  	s0 =	simm.s32 @!p0 $0x1  }
0x58: {  	_ =	swait.ge @!p0 [sflag:s0], s1  }
0x59: {  	s1 =	ssub.s32 @!p0 $0x0, s1;
	[sflag:s0] =	ssyncset.done @!p0 $0x0  }
0x5a: {  	[sflag:s0] =	ssyncadd.s32 @!p0 s1  }
0x5b: {  	[bflag:$0x3] =	sbarrier.arrive $0xFFFF  }
0x5c: {  	_ =	shalt  }

// kernel: sparse-core-data-format-call.cloned.1.call-start
scs
called_computation_lowered:
.L_overlay_start_0:
0x0: {  	s1 =	sld [smem:$0x3FD9]  }
0x1: {  	s2 =	sld [smem:$0x3FFE];
	_ =	sdelay $0x1  }
0x2: {  	s3 =	srdreg.scid  }
0x3: {  	s0 =	sand.u32 $0x1, s3  }
0x4: {  	s17 =	sshll.u32 s0, $0xA;
	s1 =	sadd.s32 s2, s1  }
0x5: {  	s1 =	sadd.s32 s1, s17  }
0x6: {  	[smem:$0x3FB0] =	sst s1  }
0x7: {  	_ = 	snop  }
0x8: {  	(tm) =	ssettm $0x1  }
0x9: {  	s18 =	sld [smem:$0x3FFB];
	_ =	sdelay $0x3  }
0xa: {  	_ =	strace s18  }
0xb: {  	s1 =	sld [smem:$0x3FFC];
	_ =	sdelay $0x3  }
0xc: {  	_ =	strace s1  }
0xd: {  	s1 =	sld [smem:$0x3FFD];
	_ =	sdelay $0x3  }
0xe: {  	_ =	strace s1  }
0xf: {  	_ =	strace $0x8FFFFFFF  }
0x10: {  	s19 =	sld [smem:$0x3FDB];
	_ =	sdelay $0x1  }
0x11: {  	s20 =	simm.s32 $_scs_section_size  }
0x12: {  	s4 =	simm.s32 $_size__tile_overlayer_lowered;
	s5 =	simm.s32 $_tile_overlayer_lowered  }
0x13: {  	s23 =	simm.s32 $0x1BFF;
	s22 =	sshll.u32 s5, $0x1;
	s1 =	sadd.s32 s20, s19  }
0x14: {  	s6 =	simm.s32 $0x0;
	s21 =	sshll.u32 s4, $0x1;
	s4 =	sadd.s32 s22, s1  }
0x15: {  	[timem:s6], [sflag:s23] =	dma.local [hbm:s4], s21  }
0x16: {  	_ =	swait.ge [sflag:s23], s21  }
0x17: {  	s2 =	ssub.s32 $0x0, s21;
	[sflag:s23] =	ssyncset.done $0x0  }
0x18: {  	[sflag:s23] =	ssyncadd.s32 s2;
	_ =	sdelay $0x1  }
0x19: {  	s24 =	simm.s32 $0x1B8B  }
0x1a: {  	_ =	swait.ge [sflag:s24], $0x1  }
0x1b: {  	[sflag:s24] =	ssyncset.done $0x0  }
0x1c: {  	s26 =	simm.s32 $0x1B8E;
	s25 =	sld [smem:$0x3FFE];
	[sflag:s24] =	ssyncadd.s32 $0xFFFFFFFF  }
0x1d: {  	s27 =	simm.s32 $execute0_lowered;
	[smem:$0x3FD2] =	sst s26  }
0x1e: {  	s4 =	sshll.u32 s27, $0x1;
	_ =	strace $0x80000052;
	[dreg:$0x1] =	wrdreg $0xFFFFFFFF  }
0x1f: {  	s28 =	simm.s32 $_size_execute0_lowered;
	s1 =	sadd.s32 s1, s4;
	[dreg:$0x0] =	wrdreg $0x0  }
0x20: {  	s4 =	sshll.u32 s28, $0x1;
	[dreg:$0x2] =	wrdreg s1  }
0x21: {  	[dreg:$0x3] =	wrdreg s4  }
0x22: {  	[dreg:$0x4] =	wrdreg $0xC0  }
0x23: {  	_ =	task [dreg:s6], $0x5FFFF  }
0x24: {  	[dreg:$0x1] =	wrdreg $0xFFFFFFFF  }
0x25: {  	[dreg:$0x0] =	wrdreg $0x60  }
0x26: {  	[dreg:$0x2] =	wrdreg s25  }
0x27: {  	[dreg:$0x3] =	wrdreg $0x9  }
0x28: {  	_ =	task.clear_ibuf [dreg:s6], $0x4FFFF;
	_ =	strace $0x90000052  }
0x29: {  	s29 =	simm.s32 $0x9;
	_ =	strace $0x80000054  }
0x2a: {  	_ =	swait.ge [sflag:s29], $0x1  }
0x2b: {  	[sflag:s29] =	ssyncadd.s32 $0xFFFFFFFF  }
0x2c: {  	_ =	strace $0x90000054  }
0x2d: {  	_ =	sfence  }
0x2e: {  	s30 =	sld [smem:$0x0];
	_ =	sdelay $0x2  }
0x2f: {  	s31 =	sshll.u32 s3, $0xD;
	s3 =	sshrl.u32 s3, $0x2  }
0x30: {  	s2 =	sand.u32 $0x4000, s31;
	s1 =	sadd.s32 s3, s30  }
0x31: {  	s0 =	sor.u32 s2, s0;
	s1 =	sshll.u32 s1, $0x11  }
0x32: {  	s0 =	sor.u32 s1, s0  }
0x33: {  	s0 =	sadd.s32 $0x8F2B, s0  }
0x34: {  	[sflag:s0] =	ssyncadd.remote.s32 $0x1  }
0x35: {  	_ =	sfence.sel $0xFFFF  }
0x36: {  	[dreg:$0x0] =	wrdreg $0xFFFFFFFF;
	(pc) =	sbr.abs _section_cstart, $3  }
0x37: {  	[dreg:$0x1] =	wrdreg $0xFFFFFFFF  }
0x38: {  	_ =	task.clear_ibuf [dreg:s6], $0x2FFFF;
	_ =	strace $0x9FFFFFFF  }
0x39: {  	(tm) =	ssettm $0x7FFFFFFF  }
tec
execute0_lowered:
.L_overlay_start_1:
0x0: {  	(tag) =	ssettag $0x1  }
0x1: {  	s0 =	srdreg.scid  }
0x2: {  	s1 =	sshll.u32 s0, $0x4  }
0x3: {  	s0 =	stileid.u32;
	s1 =	sand.u32 $0x10, s1  }
0x4: {  	s5 =	rddreg [dreg:$0x0];
	s7 =	simm.s32 $0x2;
	s2 =	sor.u32 s0, s1  }
0x5: {  	s13 =	simm.s32 $0x0;
	s8 =	simm.s32 $0x400;
	s3 =	ssub.s32 $0x1D, s2  }
0x6: {  	s9 =	simm.s32 $0xCB000;
	s10 =	simm.s32 $0x0;
	p0 =	sgt.s32 s3, $0x0  }
0x7: {  	s14 =	simm.s32 $0x0;
	s11 =	simm.s32 $0x0;
	s3 =	simm.s32 @!p0 $0x0  }
.Ltmp0:
0x8: {  	s12 =	simm.s32 $0x0;
	s4 =	sadd.s32 $0x1F, s3;
	(pc) =	sbr.rel .LBB1_1-.Ltmp0, $4  }
0x9: {  	s1 =	rddreg [dreg:$0x1];
	_ =	strace $0x80000053;
	s4 =	sshrl.u32 s4, $0x5  }
0xa: {  	s6 =	sshll.u32 s2, $0x8;
	s3 =	simm.s32 $0x1;
	s4 =	smul.u32 $0x1C, s4  }
0xb: {  	s6 =	sadd.s32 s6, s5;
	s5 =	sadd.s32 $0x5AB400, s5;
	[sflag:s3] =	ssyncpa.u1 $0x0  }
0xc: {  	s6 =	sadd.s32 $0x415400, s6;
	[sflag:s7] =	ssyncpa.u1 $0x0;
	s7 =	sor.u32 $0x1, s4  }
.LBB1_7:
0xd: {  	s15 =	sadd.s32 $0x8, s11  }
0xe: {  	p1 =	sgt.s32 s15, $0xDF  }
0xf: {  	s15 =	simm.s32 @p1 $0x0;
	p1 =	sne.s32 s12, s7  }
.Ltmp1:
0x10: {  	p0 =	slt.u32 s12, $0x2;
	(pc) =	sbr.rel @!p1 .LBB1_8-.Ltmp1, $4  }
0x11: {  	s13 =	simm.s32 @!p0 $0x2  }
0x12: {  	s16 =	sadd.s32 $0x1, s12;
	s14 =	smov.u32 s11;
	_ =	swait.ge @!p0 [sflag:s13], $0x4000  }
0x13: {  	s10 =	sadd.s32 $0x4000, s10;
	s12 =	smov.u32 s16;
	[sflag:s13] =	ssyncset.done @!p0 $0x0  }
0x14: {  	s11 =	smov.u32 s15;
	[sflag:s13] =	ssyncadd.s32 @!p0 $0xFFFFC000;
	s13 =	smov.u32 s2  }
.LBB1_1:
0x15: {  	p0 =	sge.u32 s12, s4  }
0x16: {  	s15 =	sxor.u32 @!p0 $0xFFFFFFFF, s12;
	s16 =	smul.u32 @!p0 $0x1D00, s11  }
0x17: {  	s31 =	sadd.s32 $0xFFFFFFFF, s12;
	s17 =	simm.s32 @!p0 $0x800;
	s15 =	sshll.u32 @!p0 s15, $0xE  }
0x18: {  	s18 =	simm.s32 @!p0 $0xE800;
	s15 =	sand.u32 @!p0 $0x4000, s15;
	s16 =	sadd.s32 @!p0 s16, s6  }
0x19: {  	[tilespmem:s15], [sflag:$0x1] =	stream.strided.gather @!p0 [hbm4b:s16+s17], $0x4000, s18, s17, $0x38;
	[tilespmem:$0x10000] =	vst v63  }
0x1a: {  	p0 =	sge.u32 s31, s4  }
.Ltmp2:
0x1b: {  	_ = 	snop;
	(pc) =	sbr.rel @p0 .LBB1_7-.Ltmp2, $1  }
0x1c: {  	_ =	sdelay $0x3  }
0x1d: {  	s15 =	sand.u32 $0x4000, s10  }
0x1e: {  	_ =	swait.ge [sflag:s3], $0x4000;
	s18 =	sshll.u32 s12, $0xE;
	s16 =	sor.u32 $0x8040, s15  }
0x1f: {  	s17 =	sor.u32 $0x40, s15;
	[sflag:s3] =	ssyncset.done $0x0;
	s31 =	sand.u32 $0x4000, s18  }
0x20: {  	s18 =	simm.s32 $0x0;
	[sflag:s3] =	ssyncadd.s32 $0xFFFFC000;
	s15 =	sor.u32 $0x8000, s31  }
.LBB1_3:
0x21: {  	v0 =	vmov s17;
	_ =	sdelay $0x3  }
0x22: {  	s20 =	simm.s32 $0x0  }
0x23: {  	v6 =	vld.idx.msk [tilespmem:v0+s20+$0x30 ss:$0x1], $0xffff  }
0x24: {  	v7 =	vld.idx.msk [tilespmem:v0+s20+$0xFFFFFFC0 ss:$0x1], $0xffff  }
0x25: {  	v5 =	vld.idx.msk [tilespmem:v0+s20+$0xFFFFFFD0 ss:$0x1], $0xffff  }
0x26: {  	v4 =	vld.idx.msk [tilespmem:v0+s20+$0xFFFFFFE0 ss:$0x1], $0xffff  }
0x27: {  	v3 =	vld.idx.msk [tilespmem:v0+s20+$0xFFFFFFF0 ss:$0x1], $0xffff  }
0x28: {  	v1 =	vld.idx.msk [tilespmem:v0+s20+$0x0 ss:$0x1], $0xffff  }
0x29: {  	v2 =	vld.idx.msk [tilespmem:v0+s20+$0x10 ss:$0x1], $0xffff;
	[tilespmem:s16+$0x30] =	vst v6  }
0x2a: {  	s19 =	simm.s32 $0x80;
	s21 =	simm.s32 $0x400;
	[tilespmem:s16+$0xFFFFFFC0] =	vst v7;
	v6 =	vld.idx.msk [tilespmem:v0+s20+$0x20 ss:$0x1], $0xffff;
	s20 =	smov.u32 s16  }
.LBB1_4:
0x2b: {  	p0 =	sne.s32 s21, $0x1E00;
	v7 =	vld.idx.msk [tilespmem:v0+s19+$0x30 ss:$0x1], $0xffff;
	[tilespmem:s20+$0xFFFFFFD0] =	vst v5  }
0x2c: {  	v8 =	vld.idx.msk [tilespmem:v0+s19+$0xFFFFFFC0 ss:$0x1], $0xffff;
	[tilespmem:s20+$0xFFFFFFE0] =	vst v4  }
0x2d: {  	v5 =	vld.idx.msk [tilespmem:v0+s19+$0xFFFFFFD0 ss:$0x1], $0xffff;
	[tilespmem:s20+$0xFFFFFFF0] =	vst v3  }
.Ltmp3:
0x2e: {  	v4 =	vld.idx.msk [tilespmem:v0+s19+$0xFFFFFFE0 ss:$0x1], $0xffff;
	[tilespmem:s20+$0x0] =	vst v1;
	(pc) =	sbr.rel @p0 .LBB1_4-.Ltmp3, $4  }
0x2f: {  	v3 =	vld.idx.msk [tilespmem:v0+s19+$0xFFFFFFF0 ss:$0x1], $0xffff;
	[tilespmem:s20+$0x10] =	vst v2  }
0x30: {  	v1 =	vld.idx.msk [tilespmem:v0+s19+$0x0 ss:$0x1], $0xffff;
	[tilespmem:s20+$0x20] =	vst v6;
	s20 =	sadd.s32 $0x400, s20  }
0x31: {  	v2 =	vld.idx.msk [tilespmem:v0+s19+$0x10 ss:$0x1], $0xffff;
	[tilespmem:s20+$0x30] =	vst v7  }
0x32: {  	[tilespmem:s20+$0xFFFFFFC0] =	vst v8;
	v6 =	vld.idx.msk [tilespmem:v0+s19+$0x20 ss:$0x1], $0xffff;
	s19 =	sshra.s32 s21, $0x2;
	s21 =	sadd.s32 $0x200, s21  }
0x33: {  	_ =	sdelay $0x2  }
0x34: {  	[tilespmem:s20+$0xFFFFFFD0] =	vst v5  }
0x35: {  	v56 =	vld.idx.msk [tilespmem:v0+s19+$0x30 ss:$0x1], $0xffff;
	[tilespmem:s20+$0xFFFFFFE0] =	vst v4  }
0x36: {  	v57 =	vld.idx.msk [tilespmem:v0+s19+$0xFFFFFFC0 ss:$0x1], $0xffff;
	[tilespmem:s20+$0xFFFFFFF0] =	vst v3  }
0x37: {  	v58 =	vld.idx.msk [tilespmem:v0+s19+$0xFFFFFFD0 ss:$0x1], $0xffff;
	[tilespmem:s20+$0x0] =	vst v1  }
0x38: {  	v59 =	vld.idx.msk [tilespmem:v0+s19+$0xFFFFFFE0 ss:$0x1], $0xffff;
	[tilespmem:s20+$0x10] =	vst v2  }
0x39: {  	v60 =	vld.idx.msk [tilespmem:v0+s19+$0xFFFFFFF0 ss:$0x1], $0xffff;
	s31 =	sadd.s32 $0x400, s20;
	[tilespmem:s20+$0x20] =	vst v6  }
0x3a: {  	v61 =	vld.idx.msk [tilespmem:v0+s19+$0x0 ss:$0x1], $0xffff;
	[tilespmem:s31+$0x30] =	vst v56  }
0x3b: {  	v62 =	vld.idx.msk [tilespmem:v0+s19+$0x10 ss:$0x1], $0xffff;
	s18 =	sadd.s32 $0x1, s18;
	[tilespmem:s31+$0xFFFFFFC0] =	vst v57  }
0x3c: {  	v63 =	vld.idx.msk [tilespmem:v0+s19+$0x20 ss:$0x1], $0xffff;
	p0 =	sne.s32 s18, $0x8;
	[tilespmem:s31+$0xFFFFFFD0] =	vst v58  }
.Ltmp4:
0x3d: {  	[tilespmem:s31+$0xFFFFFFE0] =	vst v59;
	(pc) =	sbr.rel @p0 .LBB1_3-.Ltmp4, $4  }
0x3e: {  	[tilespmem:s31+$0xFFFFFFF0] =	vst v60  }
0x3f: {  	[tilespmem:s31+$0x0] =	vst v61  }
0x40: {  	[tilespmem:s31+$0x10] =	vst v62  }
0x41: {  	s16 =	sadd.s32 $0x80, s16;
	s17 =	sadd.s32 $0x800, s17;
	[tilespmem:s31+$0x20] =	vst v63  }
0x42: {  	s14 =	sand.u32 $0x1FFFFFF, s14  }
0x43: {  	s16 =	smulhi.u32 $0x2492493, s14;
	_ =	sdelay $0x1  }
0x44: {  	s13 =	smul.u32 $0xE00, s13;
	s16 =	sshrl.u32 s16, $0x1  }
0x45: {  	s16 =	smul.u32 $0xE0, s16  }
.Ltmp5:
0x46: {  	_ = 	snop;
	(pc) =	sbr.rel .LBB1_7-.Ltmp5, $4  }
0x47: {  	s14 =	ssub.s32 s14, s16  }
0x48: {  	s13 =	sadd.s32 s5, s13;
	s14 =	sshll.u32 s14, $0x4  }
0x49: {  	s13 =	sadd.s32 s14, s13  }
0x4a: {  	[hbm4b:s13+s8] =	stream.strided.scatter [tilespmem:s15], [sflag:$0x2], $0x4000, s9, s8, $0x38;
	[tilespmem:$0x10000] =	vst v63  }
.LBB1_8:
0x4b: {  	_ =	sfence.sel $0x180000  }
0x4c: {  	s2 =	simm.s32 $0x1;
	[bflag:$0x0] =	sbarrier.arrive $0xFFFF  }
0x4d: {  	s31 =	simm.s32 $0x2;
	[sflag:s2] =	ssyncpa.u1 $0x1  }
0x4e: {  	[sflag:s31] =	ssyncpa.u1 $0x1  }
0x4f: {  	p0 =	sne.s32 s0, $0x0;
	_ =	strace $0x90000053  }
0x50: {  	s0 =	sadd.s32 @!p0 $0x100000, s1;
	[bflag:$0x2] =	sbarrier.arrive $0xFFFF  }
0x51: {  	[sflag:s0] =	ssyncadd.tile.s32 @!p0 $0x1;
	_ =	shalt  }
.Lfunc_end1:
_tile_overlayer_lowered:
.L_overlay_start_2:
0x52: {  	(tag) =	ssettag $0x2  }
0x53: {  	s0 =	rddreg [dreg:$0x0];
	s2 =	stileid.u32  }
0x54: {  	s1 =	rddreg [dreg:$0x1];
	p0 =	sne.s32 s2, $0x0  }
0x55: {  	s3 =	rddreg [dreg:$0x2];
	[bflag:$0x3] =	sbarrier.arrive $0xFFFF;
	s2 =	simm.s32 @!p0 $0x1C01  }
0x56: {  	[timem:s3], [sflag:s2] =	dma.local @!p0 [hbm:s0], s1  }
0x57: {  	s0 =	simm.s32 @!p0 $0x1  }
0x58: {  	_ =	swait.ge @!p0 [sflag:s0], s1  }
0x59: {  	s1 =	ssub.s32 @!p0 $0x0, s1;
	[sflag:s0] =	ssyncset.done @!p0 $0x0  }
0x5a: {  	[sflag:s0] =	ssyncadd.s32 @!p0 s1  }
0x5b: {  	[bflag:$0x3] =	sbarrier.arrive $0xFFFF  }
0x5c: {  	_ =	shalt  }

</sc_bundles>
